<compile_context>
chip_gen: v7x
topology: tpu7x:2x2x1
jax: 0.10.2.dev20260603
libtpu: 0.0.44.dev20260713+nightly
codegen_flags: <defaults>
</compile_context>

<pallas_src>
import functools

import jax
import jax.numpy as jnp
from jax import lax
from jax.experimental import pallas as pl
from jax.experimental.pallas import tpu as pltpu
from jax.experimental.pallas import tpu_sc as plsc

F = 26
V = 100000
D = 32
B = 16384

NW = 32
PLANES = F * D
PPW = PLANES // NW
OUTC = 4096


CV = 32768
NVB = pl.cdiv(V + 1, CV)


def _scale_body(w_ref, o_ref):
    iv = pl.program_id(1)

    @pl.when(iv == 0)
    def _init():
        o_ref[...] = jnp.zeros_like(o_ref)

    vals = jnp.abs(w_ref[0])

    @pl.when(iv < NVB - 1)
    def _body():
        o_ref[...] = jnp.maximum(o_ref[...], jnp.max(vals))

    @pl.when(iv == NVB - 1)
    def _finish():
        lim = (V + 1) - iv * CV
        col = lax.broadcasted_iota(jnp.int32, (D, CV), 1)
        m = jnp.max(jnp.where(col < lim, vals, 0.0))
        o_ref[...] = 0.2 / jnp.maximum(o_ref[...], m)


def _tc_scale(wt):
    return pl.pallas_call(
        _scale_body,
        grid=(F, NVB),
        compiler_params=pltpu.CompilerParams(
            dimension_semantics=("parallel", "arbitrary")),
        in_specs=[pl.BlockSpec((1, D, CV), lambda f, v: (f, 0, v))],
        out_specs=pl.BlockSpec((1, 8, 128), lambda f, v: (f, 0, 0)),
        out_shape=jax.ShapeDtypeStruct((F, 8, 128), jnp.float32),
    )(wt)



CB = 16384


def _tanh_body(g_ref, s_ref, o_ref):
    o_ref[...] = jnp.tanh(g_ref[...] * s_ref[0, 0, 0])


def _tc_tanh(raw, scale_full):
    return pl.pallas_call(
        _tanh_body,
        grid=(F, B // CB),
        compiler_params=pltpu.CompilerParams(
            dimension_semantics=("parallel", "parallel")),
        in_specs=[
            pl.BlockSpec((1, D, CB), lambda f, b: (f, 0, b)),
            pl.BlockSpec((1, 8, 128), lambda f, b: (f, 0, 0)),
        ],
        out_specs=pl.BlockSpec((1, D, CB), lambda f, b: (f, 0, b)),
        out_shape=jax.ShapeDtypeStruct((F, D, B), jnp.float32),
    )(raw, scale_full)



_mesh = plsc.VectorSubcoreMesh(
    core_axis_name="c", subcore_axis_name="s", num_cores=2, num_subcores=16
)


@functools.partial(
    pl.kernel,
    mesh=_mesh,
    compiler_params=pltpu.CompilerParams(needs_layout_passes=False),
    out_type=jax.ShapeDtypeStruct((F, D, B), jnp.float32),
    scratch_types=[
        pltpu.VMEM((V + 1,), jnp.float32),
        pltpu.VMEM((B,), jnp.int32),
        pltpu.VMEM((2, OUTC), jnp.float32),
        pltpu.SemaphoreType.DMA,
        pltpu.SemaphoreType.DMA,
        pltpu.SemaphoreType.DMA,
    ],
)
def _sc_gather(wt_hbm, xt_hbm, out_hbm, plane_v, x_v, o_v, sem, osem0, osem1):
    wid = lax.axis_index("s") * 2 + lax.axis_index("c")
    p0 = wid * PPW

    f0 = lax.shift_right_logical(p0, 5)
    pltpu.sync_copy(xt_hbm.at[f0, :], x_v)

    def plane_body(pi, carry):
        p = p0 + pi
        f = lax.shift_right_logical(p, 5)
        d = lax.bitwise_and(p, 31)

        plane_cp = pltpu.async_copy(wt_hbm.at[f, d, :], plane_v, sem)

        @pl.when(jnp.logical_and(d == 0, pi > 0))
        def _new_field():
            pltpu.sync_copy(xt_hbm.at[f, :], x_v)

        plane_cp.wait()

        for q in range(4):
            slot = q % 2
            osem = osem0 if slot == 0 else osem1

            def _drain():
                pltpu.make_async_copy(
                    out_hbm.at[f, d, pl.ds(q * OUTC, OUTC)],
                    o_v.at[slot], osem,
                ).wait()

            if q >= 2:
                _drain()
            else:
                pl.when(pi > 0)(_drain)

            @plsc.parallel_loop(0, OUTC, 16, unroll=8)
            def _chunk_loop(i):
                xi = x_v[pl.ds(q * OUTC + i, 16)] + 1
                o_v[slot, pl.ds(i, 16)] = plsc.load_gather(plane_v, [xi])

            pltpu.async_copy(
                o_v.at[slot], out_hbm.at[f, d, pl.ds(q * OUTC, OUTC)], osem
            )
        return carry

    lax.fori_loop(0, PPW, plane_body, 0)

    pltpu.make_async_copy(
        out_hbm.at[0, 0, pl.ds(0, OUTC)], o_v.at[0], osem0).wait()
    pltpu.make_async_copy(
        out_hbm.at[0, 0, pl.ds(0, OUTC)], o_v.at[1], osem1).wait()


def kernel(x, W):
    wt = jnp.transpose(W, (0, 2, 1))
    xt = jnp.transpose(x, (1, 0))
    raw = _sc_gather(wt, xt)
    scale_full = _tc_scale(wt)
    out_t = _tc_tanh(raw, scale_full)
    return jnp.transpose(out_t, (2, 0, 1))

# --- scband reference (transcript-rebuilt; emitter-appended) ---
"""Pipeline reference for scband-embedder-9105330668062 (READ-ONLY COPY).

The authoritative reference and input builder live on the scoring server;
editing this copy changes nothing except your own understanding.
"""

import jax, jax.numpy as jnp
import numpy as np

N_FIELDS = 26
VOCAB = 100000
EMB_DIM = 32
BATCH = 16384


def setup_inputs(seed: int = 0) -> dict:
    key = jax.random.key(seed)
    kx, kw = jax.random.split(key)
    # indices in [0, VOCAB); forward adds +1, so table needs VOCAB+1 rows
    x = jax.random.randint(kx, (BATCH, N_FIELDS), 0, VOCAB)
    # stacked embedding tables, one per categorical field: [F, VOCAB+1, D]
    W = jax.random.normal(kw, (N_FIELDS, VOCAB + 1, EMB_DIM), dtype=jnp.float32)
    return {"x": x, "W": W}


def reference(x, W):
    # init_max[cat] = max abs of each table's initial weights (a constant in torch)
    init_max = jnp.max(jnp.abs(W), axis=(1, 2))  # [F]
    idx = x + 1  # [B, F]
    # per-field gather: W[i][idx[:, i]] -> [B, F, D]
    gathered = jax.vmap(lambda w, i: jnp.take(w, i, axis=0), in_axes=(0, 1), out_axes=1)(W, idx)
    out = jnp.tanh(0.2 * gathered / init_max[None, :, None])
    return out

if __name__ == "__main__":
    import jax
    _d = setup_inputs()
    print(jax.jit(kernel)(*tuple(_d.values())))

</pallas_src>

<mosaic_0001>
#map = affine_map<(d0, d1) -> (0, 0, 0)>
#map1 = affine_map<(d0, d1) -> (0, 0)>
module attributes {stable_mosaic.version = 14 : i64} {
  func.func @_sc_gather(%arg0: i32, %arg1: i32, %arg2: memref<26x32x100001xf32, #tpu.memory_space<hbm>>, %arg3: memref<26x16384xi32, #tpu.memory_space<hbm>>, %arg4: memref<26x32x16384xf32, #tpu.memory_space<hbm>>, %arg5: memref<100001xf32, #tpu.memory_space<vmem>>, %arg6: memref<16384xi32, #tpu.memory_space<vmem>>, %arg7: memref<2x4096xf32, #tpu.memory_space<vmem>>, %arg8: memref<!tpu.dma_semaphore, #tpu.memory_space<semaphore_mem>>, %arg9: memref<!tpu.dma_semaphore, #tpu.memory_space<semaphore_mem>>, %arg10: memref<!tpu.dma_semaphore, #tpu.memory_space<semaphore_mem>>) attributes {dimension_semantics = [#tpu.dimension_semantics<core_parallel>, #tpu.dimension_semantics<subcore_parallel>], iteration_bounds = array<i64: 2, 16>, scalar_prefetch = 0 : i64, scratch_operands = 6 : i64, tpu.core_type = #tpu.core_type<sc_vector_subcore>, window_params = [{transform_indices = #map}, {transform_indices = #map1}, {transform_indices = #map}]} {
    %mul3A = arith.constant 2 : i32
    %mul3A_0 = arith.muli %arg1, %mul3A : i32
    %add3A = arith.addi %mul3A_0, %arg0 : i32
    %mul3A_1 = arith.constant 26 : i32
    %mul3A_2 = arith.muli %add3A, %mul3A_1 : i32
    %shift_right_logical3A = arith.constant 5 : i32
    %shift_right_logical3A_3 = arith.shrui %mul3A_2, %shift_right_logical3A : i32
    "tpu.region"() ({
      %run_scoped3A = tpu.sem_alloc : memref<!tpu.dma_semaphore, #tpu.memory_space<semaphore_mem>>
      %dma_start3A = arith.constant 0 : i32
      %dma_start3A_38 = tpu.memref_slice %arg3[%shift_right_logical3A_3, %dma_start3A] : memref<26x16384xi32, #tpu.memory_space<hbm>> -> memref<1x16384xi32, #tpu.memory_space<hbm>>
      %dma_start3A_39 = tpu.memref_squeeze %dma_start3A_38 : memref<1x16384xi32, #tpu.memory_space<hbm>> -> memref<16384xi32, #tpu.memory_space<hbm>>
      %dma_start3A_40 = arith.constant 0 : i32
      %dma_start3A_41 = tpu.memref_slice %arg3[%shift_right_logical3A_3, %dma_start3A_40] : memref<26x16384xi32, #tpu.memory_space<hbm>> -> memref<1x16384xi32, #tpu.memory_space<hbm>>
      %dma_start3A_42 = tpu.memref_squeeze %dma_start3A_41 : memref<1x16384xi32, #tpu.memory_space<hbm>> -> memref<16384xi32, #tpu.memory_space<hbm>>
      tpu.enqueue_dma source(%dma_start3A_42 : memref<16384xi32, #tpu.memory_space<hbm>>) target(%arg6 : memref<16384xi32, #tpu.memory_space<vmem>>) target_semaphore(%run_scoped3A : memref<!tpu.dma_semaphore, #tpu.memory_space<semaphore_mem>>)
      %dma_wait3A_43 = arith.constant 0 : i32
      %dma_wait3A_44 = tpu.memref_slice %arg3[%shift_right_logical3A_3, %dma_wait3A_43] : memref<26x16384xi32, #tpu.memory_space<hbm>> -> memref<1x16384xi32, #tpu.memory_space<hbm>>
      %dma_wait3A_45 = tpu.memref_squeeze %dma_wait3A_44 : memref<1x16384xi32, #tpu.memory_space<hbm>> -> memref<16384xi32, #tpu.memory_space<hbm>>
      %dma_wait3A_46 = arith.constant 0 : i32
      %dma_wait3A_47 = tpu.memref_slice %arg3[%shift_right_logical3A_3, %dma_wait3A_46] : memref<26x16384xi32, #tpu.memory_space<hbm>> -> memref<1x16384xi32, #tpu.memory_space<hbm>>
      %dma_wait3A_48 = tpu.memref_squeeze %dma_wait3A_47 : memref<1x16384xi32, #tpu.memory_space<hbm>> -> memref<16384xi32, #tpu.memory_space<hbm>>
      tpu.wait_dma2 semaphore(%run_scoped3A : memref<!tpu.dma_semaphore, #tpu.memory_space<semaphore_mem>>) src(%dma_wait3A_48 : memref<16384xi32, #tpu.memory_space<hbm>>) dst(%arg6 : memref<16384xi32, #tpu.memory_space<vmem>>)
      tpu.yield
    }) : () -> ()
    %scan3A = arith.constant 0 : i32
    %scan3A_4 = arith.constant 0 : i32
    %scan3A_5 = arith.constant 26 : i32
    %scan3A_6 = arith.addi %scan3A_4, %scan3A_5 : i32
    %scan3A_7 = arith.constant 1 : i32
    scf.for %scan3A_38 = %scan3A_4 to %scan3A_6 step %scan3A_7  : i32 {
      %add3A_39 = arith.addi %mul3A_2, %scan3A_38 : i32
      %shift_right_logical3A_40 = arith.constant 5 : i32
      %shift_right_logical3A_41 = arith.shrui %add3A_39, %shift_right_logical3A_40 : i32
      %and3A = arith.constant 31 : i32
      %and3A_42 = arith.andi %add3A_39, %and3A : i32
      %dma_start3A = arith.constant 0 : i32
      %dma_start3A_43 = tpu.memref_slice %arg2[%shift_right_logical3A_41, %and3A_42, %dma_start3A] : memref<26x32x100001xf32, #tpu.memory_space<hbm>> -> memref<1x1x100001xf32, #tpu.memory_space<hbm>>
      %dma_start3A_44 = tpu.memref_squeeze %dma_start3A_43 : memref<1x1x100001xf32, #tpu.memory_space<hbm>> -> memref<100001xf32, #tpu.memory_space<hbm>>
      %dma_start3A_45 = arith.constant 0 : i32
      %dma_start3A_46 = tpu.memref_slice %arg2[%shift_right_logical3A_41, %and3A_42, %dma_start3A_45] : memref<26x32x100001xf32, #tpu.memory_space<hbm>> -> memref<1x1x100001xf32, #tpu.memory_space<hbm>>
      %dma_start3A_47 = tpu.memref_squeeze %dma_start3A_46 : memref<1x1x100001xf32, #tpu.memory_space<hbm>> -> memref<100001xf32, #tpu.memory_space<hbm>>
      tpu.enqueue_dma source(%dma_start3A_47 : memref<100001xf32, #tpu.memory_space<hbm>>) target(%arg5 : memref<100001xf32, #tpu.memory_space<vmem>>) target_semaphore(%arg8 : memref<!tpu.dma_semaphore, #tpu.memory_space<semaphore_mem>>)
      %eq3A = arith.constant 0 : i32
      %eq3A_48 = arith.cmpi eq, %and3A_42, %eq3A : i32
      %gt3A = arith.constant 0 : i32
      %gt3A_49 = arith.cmpi sgt, %scan3A_38, %gt3A : i32
      %and3A_50 = arith.andi %eq3A_48, %gt3A_49 : i1
      %convert_element_type3A = arith.extui %and3A_50 : i1 to i32
      %cond3A = arith.constant 0 : i32
      %cond3A_51 = arith.cmpi ne, %convert_element_type3A, %cond3A : i32
      scf.if %cond3A_51 {
        "tpu.region"() ({
          %run_scoped3A = tpu.sem_alloc : memref<!tpu.dma_semaphore, #tpu.memory_space<semaphore_mem>>
          %dma_start3A_157 = arith.constant 0 : i32
          %dma_start3A_158 = tpu.memref_slice %arg3[%shift_right_logical3A_41, %dma_start3A_157] : memref<26x16384xi32, #tpu.memory_space<hbm>> -> memref<1x16384xi32, #tpu.memory_space<hbm>>
          %dma_start3A_159 = tpu.memref_squeeze %dma_start3A_158 : memref<1x16384xi32, #tpu.memory_space<hbm>> -> memref<16384xi32, #tpu.memory_space<hbm>>
          %dma_start3A_160 = arith.constant 0 : i32
          %dma_start3A_161 = tpu.memref_slice %arg3[%shift_right_logical3A_41, %dma_start3A_160] : memref<26x16384xi32, #tpu.memory_space<hbm>> -> memref<1x16384xi32, #tpu.memory_space<hbm>>
          %dma_start3A_162 = tpu.memref_squeeze %dma_start3A_161 : memref<1x16384xi32, #tpu.memory_space<hbm>> -> memref<16384xi32, #tpu.memory_space<hbm>>
          tpu.enqueue_dma source(%dma_start3A_162 : memref<16384xi32, #tpu.memory_space<hbm>>) target(%arg6 : memref<16384xi32, #tpu.memory_space<vmem>>) target_semaphore(%run_scoped3A : memref<!tpu.dma_semaphore, #tpu.memory_space<semaphore_mem>>)
          %dma_wait3A_163 = arith.constant 0 : i32
          %dma_wait3A_164 = tpu.memref_slice %arg3[%shift_right_logical3A_41, %dma_wait3A_163] : memref<26x16384xi32, #tpu.memory_space<hbm>> -> memref<1x16384xi32, #tpu.memory_space<hbm>>
          %dma_wait3A_165 = tpu.memref_squeeze %dma_wait3A_164 : memref<1x16384xi32, #tpu.memory_space<hbm>> -> memref<16384xi32, #tpu.memory_space<hbm>>
          %dma_wait3A_166 = arith.constant 0 : i32
          %dma_wait3A_167 = tpu.memref_slice %arg3[%shift_right_logical3A_41, %dma_wait3A_166] : memref<26x16384xi32, #tpu.memory_space<hbm>> -> memref<1x16384xi32, #tpu.memory_space<hbm>>
          %dma_wait3A_168 = tpu.memref_squeeze %dma_wait3A_167 : memref<1x16384xi32, #tpu.memory_space<hbm>> -> memref<16384xi32, #tpu.memory_space<hbm>>
          tpu.wait_dma2 semaphore(%run_scoped3A : memref<!tpu.dma_semaphore, #tpu.memory_space<semaphore_mem>>) src(%dma_wait3A_168 : memref<16384xi32, #tpu.memory_space<hbm>>) dst(%arg6 : memref<16384xi32, #tpu.memory_space<vmem>>)
          tpu.yield
        }) : () -> ()
      } else {
      }
      %dma_wait3A_52 = arith.constant 0 : i32
      %dma_wait3A_53 = tpu.memref_slice %arg2[%shift_right_logical3A_41, %and3A_42, %dma_wait3A_52] : memref<26x32x100001xf32, #tpu.memory_space<hbm>> -> memref<1x1x100001xf32, #tpu.memory_space<hbm>>
      %dma_wait3A_54 = tpu.memref_squeeze %dma_wait3A_53 : memref<1x1x100001xf32, #tpu.memory_space<hbm>> -> memref<100001xf32, #tpu.memory_space<hbm>>
      %dma_wait3A_55 = arith.constant 0 : i32
      %dma_wait3A_56 = tpu.memref_slice %arg2[%shift_right_logical3A_41, %and3A_42, %dma_wait3A_55] : memref<26x32x100001xf32, #tpu.memory_space<hbm>> -> memref<1x1x100001xf32, #tpu.memory_space<hbm>>
      %dma_wait3A_57 = tpu.memref_squeeze %dma_wait3A_56 : memref<1x1x100001xf32, #tpu.memory_space<hbm>> -> memref<100001xf32, #tpu.memory_space<hbm>>
      tpu.wait_dma2 semaphore(%arg8 : memref<!tpu.dma_semaphore, #tpu.memory_space<semaphore_mem>>) src(%dma_wait3A_57 : memref<100001xf32, #tpu.memory_space<hbm>>) dst(%arg5 : memref<100001xf32, #tpu.memory_space<vmem>>)
      %gt3A_58 = arith.constant 0 : i32
      %gt3A_59 = arith.cmpi sgt, %scan3A_38, %gt3A_58 : i32
      %convert_element_type3A_60 = arith.extui %gt3A_59 : i1 to i32
      %cond3A_61 = arith.constant 0 : i32
      %cond3A_62 = arith.cmpi ne, %convert_element_type3A_60, %cond3A_61 : i32
      scf.if %cond3A_62 {
        %dma_wait3A_157 = arith.constant 0 : i32
        %dma_wait3A_158 = arith.constant 0 : i32
        %dma_wait3A_159 = tpu.memref_slice %arg7[%dma_wait3A_157, %dma_wait3A_158] : memref<2x4096xf32, #tpu.memory_space<vmem>> -> memref<1x4096xf32, #tpu.memory_space<vmem>>
        %dma_wait3A_160 = tpu.memref_squeeze %dma_wait3A_159 : memref<1x4096xf32, #tpu.memory_space<vmem>> -> memref<4096xf32, #tpu.memory_space<vmem>>
        %dma_wait3A_161 = arith.constant 0 : i32
        %dma_wait3A_162 = tpu.memref_slice %arg4[%shift_right_logical3A_41, %and3A_42, %dma_wait3A_161] : memref<26x32x16384xf32, #tpu.memory_space<hbm>> -> memref<1x1x4096xf32, #tpu.memory_space<hbm>>
        %dma_wait3A_163 = tpu.memref_squeeze %dma_wait3A_162 : memref<1x1x4096xf32, #tpu.memory_space<hbm>> -> memref<4096xf32, #tpu.memory_space<hbm>>
        %dma_wait3A_164 = arith.constant 0 : i32
        %dma_wait3A_165 = tpu.memref_slice %arg7[%dma_wait3A_157, %dma_wait3A_164] : memref<2x4096xf32, #tpu.memory_space<vmem>> -> memref<1x4096xf32, #tpu.memory_space<vmem>>
        %dma_wait3A_166 = tpu.memref_squeeze %dma_wait3A_165 : memref<1x4096xf32, #tpu.memory_space<vmem>> -> memref<4096xf32, #tpu.memory_space<vmem>>
        %dma_wait3A_167 = arith.constant 0 : i32
        %dma_wait3A_168 = tpu.memref_slice %arg4[%shift_right_logical3A_41, %and3A_42, %dma_wait3A_167] : memref<26x32x16384xf32, #tpu.memory_space<hbm>> -> memref<1x1x4096xf32, #tpu.memory_space<hbm>>
        %dma_wait3A_169 = tpu.memref_squeeze %dma_wait3A_168 : memref<1x1x4096xf32, #tpu.memory_space<hbm>> -> memref<4096xf32, #tpu.memory_space<hbm>>
        tpu.wait_dma2 semaphore(%arg9 : memref<!tpu.dma_semaphore, #tpu.memory_space<semaphore_mem>>) src(%dma_wait3A_169 : memref<4096xf32, #tpu.memory_space<hbm>>) dst(%dma_wait3A_166 : memref<4096xf32, #tpu.memory_space<vmem>>)
      } else {
      }
      %parallel_loop3A = arith.constant 0 : i32
      %parallel_loop3A_63 = arith.constant 4096 : i32
      %parallel_loop3A_64 = arith.constant 16 : i32
      scf.for %parallel_loop3A_157 = %parallel_loop3A to %parallel_loop3A_63 step %parallel_loop3A_64  : i32 {
        %parallel_loop3A_158 = arith.constant 0 : i32
        %parallel_loop3A_159 = arith.addi %parallel_loop3A_158, %parallel_loop3A_157 : i32
        %parallel_loop3A_160 = arith.index_cast %parallel_loop3A_159 : i32 to index
        %parallel_loop3A_161 = tpu.vector_load %arg6[%parallel_loop3A_160] {strides = array<i32>} : memref<16384xi32, #tpu.memory_space<vmem>>, vector<16xi32>,
        %parallel_loop3A_162 = arith.constant 1 : i32
        %parallel_loop3A_163 = vector.broadcast %parallel_loop3A_162 : i32 to vector<16xi32>
        %parallel_loop3A_164 = arith.addi %parallel_loop3A_161, %parallel_loop3A_163 : vector<16xi32>
        %parallel_loop3A_165 = tpu.vector_load_idx %arg5[%parallel_loop3A_164] : memref<100001xf32, #tpu.memory_space<vmem>>[vector<16xi32>], vector<16xf32>,
        %parallel_loop3A_166 = arith.constant 0 : i32
        %parallel_loop3A_167 = arith.index_cast %parallel_loop3A_166 : i32 to index
        %parallel_loop3A_168 = arith.index_cast %parallel_loop3A_157 : i32 to index
        %parallel_loop3A_169 = tpu.vector_load %arg7[%parallel_loop3A_167, %parallel_loop3A_168] {strides = array<i32>} : memref<2x4096xf32, #tpu.memory_space<vmem>>, vector<16xf32>,
        tpu.vector_store %arg7[%parallel_loop3A_167, %parallel_loop3A_168], %parallel_loop3A_165 {strides = array<i32>} : memref<2x4096xf32, #tpu.memory_space<vmem>>, vector<16xf32>,
      } {sc.loop_unroll_factor = 8 : i64, sc.parallel_access}
      %dma_start3A_65 = arith.constant 0 : i32
      %dma_start3A_66 = arith.constant 0 : i32
      %dma_start3A_67 = tpu.memref_slice %arg7[%dma_start3A_65, %dma_start3A_66] : memref<2x4096xf32, #tpu.memory_space<vmem>> -> memref<1x4096xf32, #tpu.memory_space<vmem>>
      %dma_start3A_68 = tpu.memref_squeeze %dma_start3A_67 : memref<1x4096xf32, #tpu.memory_space<vmem>> -> memref<4096xf32, #tpu.memory_space<vmem>>
      %dma_start3A_69 = arith.constant 0 : i32
      %dma_start3A_70 = tpu.memref_slice %arg4[%shift_right_logical3A_41, %and3A_42, %dma_start3A_69] : memref<26x32x16384xf32, #tpu.memory_space<hbm>> -> memref<1x1x4096xf32, #tpu.memory_space<hbm>>
      %dma_start3A_71 = tpu.memref_squeeze %dma_start3A_70 : memref<1x1x4096xf32, #tpu.memory_space<hbm>> -> memref<4096xf32, #tpu.memory_space<hbm>>
      %dma_start3A_72 = arith.constant 0 : i32
      %dma_start3A_73 = tpu.memref_slice %arg4[%shift_right_logical3A_41, %and3A_42, %dma_start3A_72] : memref<26x32x16384xf32, #tpu.memory_space<hbm>> -> memref<1x1x4096xf32, #tpu.memory_space<hbm>>
      %dma_start3A_74 = tpu.memref_squeeze %dma_start3A_73 : memref<1x1x4096xf32, #tpu.memory_space<hbm>> -> memref<4096xf32, #tpu.memory_space<hbm>>
      %dma_start3A_75 = arith.constant 0 : i32
      %dma_start3A_76 = tpu.memref_slice %arg7[%dma_start3A_65, %dma_start3A_75] : memref<2x4096xf32, #tpu.memory_space<vmem>> -> memref<1x4096xf32, #tpu.memory_space<vmem>>
      %dma_start3A_77 = tpu.memref_squeeze %dma_start3A_76 : memref<1x4096xf32, #tpu.memory_space<vmem>> -> memref<4096xf32, #tpu.memory_space<vmem>>
      tpu.enqueue_dma source(%dma_start3A_77 : memref<4096xf32, #tpu.memory_space<vmem>>) target(%dma_start3A_74 : memref<4096xf32, #tpu.memory_space<hbm>>) target_semaphore(%arg9 : memref<!tpu.dma_semaphore, #tpu.memory_space<semaphore_mem>>)
      %gt3A_78 = arith.constant 0 : i32
      %gt3A_79 = arith.cmpi sgt, %scan3A_38, %gt3A_78 : i32
      %convert_element_type3A_80 = arith.extui %gt3A_79 : i1 to i32
      %cond3A_81 = arith.constant 0 : i32
      %cond3A_82 = arith.cmpi ne, %convert_element_type3A_80, %cond3A_81 : i32
      scf.if %cond3A_82 {
        %dma_wait3A_157 = arith.constant 1 : i32
        %dma_wait3A_158 = arith.constant 0 : i32
        %dma_wait3A_159 = tpu.memref_slice %arg7[%dma_wait3A_157, %dma_wait3A_158] : memref<2x4096xf32, #tpu.memory_space<vmem>> -> memref<1x4096xf32, #tpu.memory_space<vmem>>
        %dma_wait3A_160 = tpu.memref_squeeze %dma_wait3A_159 : memref<1x4096xf32, #tpu.memory_space<vmem>> -> memref<4096xf32, #tpu.memory_space<vmem>>
        %dma_wait3A_161 = arith.constant 4096 : i32
        %dma_wait3A_162 = tpu.memref_slice %arg4[%shift_right_logical3A_41, %and3A_42, %dma_wait3A_161] : memref<26x32x16384xf32, #tpu.memory_space<hbm>> -> memref<1x1x4096xf32, #tpu.memory_space<hbm>>
        %dma_wait3A_163 = tpu.memref_squeeze %dma_wait3A_162 : memref<1x1x4096xf32, #tpu.memory_space<hbm>> -> memref<4096xf32, #tpu.memory_space<hbm>>
        %dma_wait3A_164 = arith.constant 0 : i32
        %dma_wait3A_165 = tpu.memref_slice %arg7[%dma_wait3A_157, %dma_wait3A_164] : memref<2x4096xf32, #tpu.memory_space<vmem>> -> memref<1x4096xf32, #tpu.memory_space<vmem>>
        %dma_wait3A_166 = tpu.memref_squeeze %dma_wait3A_165 : memref<1x4096xf32, #tpu.memory_space<vmem>> -> memref<4096xf32, #tpu.memory_space<vmem>>
        %dma_wait3A_167 = arith.constant 4096 : i32
        %dma_wait3A_168 = tpu.memref_slice %arg4[%shift_right_logical3A_41, %and3A_42, %dma_wait3A_167] : memref<26x32x16384xf32, #tpu.memory_space<hbm>> -> memref<1x1x4096xf32, #tpu.memory_space<hbm>>
        %dma_wait3A_169 = tpu.memref_squeeze %dma_wait3A_168 : memref<1x1x4096xf32, #tpu.memory_space<hbm>> -> memref<4096xf32, #tpu.memory_space<hbm>>
        tpu.wait_dma2 semaphore(%arg10 : memref<!tpu.dma_semaphore, #tpu.memory_space<semaphore_mem>>) src(%dma_wait3A_169 : memref<4096xf32, #tpu.memory_space<hbm>>) dst(%dma_wait3A_166 : memref<4096xf32, #tpu.memory_space<vmem>>)
      } else {
      }
      %parallel_loop3A_83 = arith.constant 0 : i32
      %parallel_loop3A_84 = arith.constant 4096 : i32
      %parallel_loop3A_85 = arith.constant 16 : i32
      scf.for %parallel_loop3A_157 = %parallel_loop3A_83 to %parallel_loop3A_84 step %parallel_loop3A_85  : i32 {
        %parallel_loop3A_158 = arith.constant 4096 : i32
        %parallel_loop3A_159 = arith.addi %parallel_loop3A_158, %parallel_loop3A_157 : i32
        %parallel_loop3A_160 = arith.index_cast %parallel_loop3A_159 : i32 to index
        %parallel_loop3A_161 = tpu.vector_load %arg6[%parallel_loop3A_160] {strides = array<i32>} : memref<16384xi32, #tpu.memory_space<vmem>>, vector<16xi32>,
        %parallel_loop3A_162 = arith.constant 1 : i32
        %parallel_loop3A_163 = vector.broadcast %parallel_loop3A_162 : i32 to vector<16xi32>
        %parallel_loop3A_164 = arith.addi %parallel_loop3A_161, %parallel_loop3A_163 : vector<16xi32>
        %parallel_loop3A_165 = tpu.vector_load_idx %arg5[%parallel_loop3A_164] : memref<100001xf32, #tpu.memory_space<vmem>>[vector<16xi32>], vector<16xf32>,
        %parallel_loop3A_166 = arith.constant 1 : i32
        %parallel_loop3A_167 = arith.index_cast %parallel_loop3A_166 : i32 to index
        %parallel_loop3A_168 = arith.index_cast %parallel_loop3A_157 : i32 to index
        %parallel_loop3A_169 = tpu.vector_load %arg7[%parallel_loop3A_167, %parallel_loop3A_168] {strides = array<i32>} : memref<2x4096xf32, #tpu.memory_space<vmem>>, vector<16xf32>,
        tpu.vector_store %arg7[%parallel_loop3A_167, %parallel_loop3A_168], %parallel_loop3A_165 {strides = array<i32>} : memref<2x4096xf32, #tpu.memory_space<vmem>>, vector<16xf32>,
      } {sc.loop_unroll_factor = 8 : i64, sc.parallel_access}
      %dma_start3A_86 = arith.constant 1 : i32
      %dma_start3A_87 = arith.constant 0 : i32
      %dma_start3A_88 = tpu.memref_slice %arg7[%dma_start3A_86, %dma_start3A_87] : memref<2x4096xf32, #tpu.memory_space<vmem>> -> memref<1x4096xf32, #tpu.memory_space<vmem>>
      %dma_start3A_89 = tpu.memref_squeeze %dma_start3A_88 : memref<1x4096xf32, #tpu.memory_space<vmem>> -> memref<4096xf32, #tpu.memory_space<vmem>>
      %dma_start3A_90 = arith.constant 4096 : i32
      %dma_start3A_91 = tpu.memref_slice %arg4[%shift_right_logical3A_41, %and3A_42, %dma_start3A_90] : memref<26x32x16384xf32, #tpu.memory_space<hbm>> -> memref<1x1x4096xf32, #tpu.memory_space<hbm>>
      %dma_start3A_92 = tpu.memref_squeeze %dma_start3A_91 : memref<1x1x4096xf32, #tpu.memory_space<hbm>> -> memref<4096xf32, #tpu.memory_space<hbm>>
      %dma_start3A_93 = arith.constant 4096 : i32
      %dma_start3A_94 = tpu.memref_slice %arg4[%shift_right_logical3A_41, %and3A_42, %dma_start3A_93] : memref<26x32x16384xf32, #tpu.memory_space<hbm>> -> memref<1x1x4096xf32, #tpu.memory_space<hbm>>
      %dma_start3A_95 = tpu.memref_squeeze %dma_start3A_94 : memref<1x1x4096xf32, #tpu.memory_space<hbm>> -> memref<4096xf32, #tpu.memory_space<hbm>>
      %dma_start3A_96 = arith.constant 0 : i32
      %dma_start3A_97 = tpu.memref_slice %arg7[%dma_start3A_86, %dma_start3A_96] : memref<2x4096xf32, #tpu.memory_space<vmem>> -> memref<1x4096xf32, #tpu.memory_space<vmem>>
      %dma_start3A_98 = tpu.memref_squeeze %dma_start3A_97 : memref<1x4096xf32, #tpu.memory_space<vmem>> -> memref<4096xf32, #tpu.memory_space<vmem>>
      tpu.enqueue_dma source(%dma_start3A_98 : memref<4096xf32, #tpu.memory_space<vmem>>) target(%dma_start3A_95 : memref<4096xf32, #tpu.memory_space<hbm>>) target_semaphore(%arg10 : memref<!tpu.dma_semaphore, #tpu.memory_space<semaphore_mem>>)
      %dma_wait3A_99 = arith.constant 0 : i32
      %dma_wait3A_100 = arith.constant 0 : i32
      %dma_wait3A_101 = tpu.memref_slice %arg7[%dma_wait3A_99, %dma_wait3A_100] : memref<2x4096xf32, #tpu.memory_space<vmem>> -> memref<1x4096xf32, #tpu.memory_space<vmem>>
      %dma_wait3A_102 = tpu.memref_squeeze %dma_wait3A_101 : memref<1x4096xf32, #tpu.memory_space<vmem>> -> memref<4096xf32, #tpu.memory_space<vmem>>
      %dma_wait3A_103 = arith.constant 8192 : i32
      %dma_wait3A_104 = tpu.memref_slice %arg4[%shift_right_logical3A_41, %and3A_42, %dma_wait3A_103] : memref<26x32x16384xf32, #tpu.memory_space<hbm>> -> memref<1x1x4096xf32, #tpu.memory_space<hbm>>
      %dma_wait3A_105 = tpu.memref_squeeze %dma_wait3A_104 : memref<1x1x4096xf32, #tpu.memory_space<hbm>> -> memref<4096xf32, #tpu.memory_space<hbm>>
      %dma_wait3A_106 = arith.constant 0 : i32
      %dma_wait3A_107 = tpu.memref_slice %arg7[%dma_wait3A_99, %dma_wait3A_106] : memref<2x4096xf32, #tpu.memory_space<vmem>> -> memref<1x4096xf32, #tpu.memory_space<vmem>>
      %dma_wait3A_108 = tpu.memref_squeeze %dma_wait3A_107 : memref<1x4096xf32, #tpu.memory_space<vmem>> -> memref<4096xf32, #tpu.memory_space<vmem>>
      %dma_wait3A_109 = arith.constant 8192 : i32
      %dma_wait3A_110 = tpu.memref_slice %arg4[%shift_right_logical3A_41, %and3A_42, %dma_wait3A_109] : memref<26x32x16384xf32, #tpu.memory_space<hbm>> -> memref<1x1x4096xf32, #tpu.memory_space<hbm>>
      %dma_wait3A_111 = tpu.memref_squeeze %dma_wait3A_110 : memref<1x1x4096xf32, #tpu.memory_space<hbm>> -> memref<4096xf32, #tpu.memory_space<hbm>>
      tpu.wait_dma2 semaphore(%arg9 : memref<!tpu.dma_semaphore, #tpu.memory_space<semaphore_mem>>) src(%dma_wait3A_111 : memref<4096xf32, #tpu.memory_space<hbm>>) dst(%dma_wait3A_108 : memref<4096xf32, #tpu.memory_space<vmem>>)
      %parallel_loop3A_112 = arith.constant 0 : i32
      %parallel_loop3A_113 = arith.constant 4096 : i32
      %parallel_loop3A_114 = arith.constant 16 : i32
      scf.for %parallel_loop3A_157 = %parallel_loop3A_112 to %parallel_loop3A_113 step %parallel_loop3A_114  : i32 {
        %parallel_loop3A_158 = arith.constant 8192 : i32
        %parallel_loop3A_159 = arith.addi %parallel_loop3A_158, %parallel_loop3A_157 : i32
        %parallel_loop3A_160 = arith.index_cast %parallel_loop3A_159 : i32 to index
        %parallel_loop3A_161 = tpu.vector_load %arg6[%parallel_loop3A_160] {strides = array<i32>} : memref<16384xi32, #tpu.memory_space<vmem>>, vector<16xi32>,
        %parallel_loop3A_162 = arith.constant 1 : i32
        %parallel_loop3A_163 = vector.broadcast %parallel_loop3A_162 : i32 to vector<16xi32>
        %parallel_loop3A_164 = arith.addi %parallel_loop3A_161, %parallel_loop3A_163 : vector<16xi32>
        %parallel_loop3A_165 = tpu.vector_load_idx %arg5[%parallel_loop3A_164] : memref<100001xf32, #tpu.memory_space<vmem>>[vector<16xi32>], vector<16xf32>,
        %parallel_loop3A_166 = arith.constant 0 : i32
        %parallel_loop3A_167 = arith.index_cast %parallel_loop3A_166 : i32 to index
        %parallel_loop3A_168 = arith.index_cast %parallel_loop3A_157 : i32 to index
        %parallel_loop3A_169 = tpu.vector_load %arg7[%parallel_loop3A_167, %parallel_loop3A_168] {strides = array<i32>} : memref<2x4096xf32, #tpu.memory_space<vmem>>, vector<16xf32>,
        tpu.vector_store %arg7[%parallel_loop3A_167, %parallel_loop3A_168], %parallel_loop3A_165 {strides = array<i32>} : memref<2x4096xf32, #tpu.memory_space<vmem>>, vector<16xf32>,
      } {sc.loop_unroll_factor = 8 : i64, sc.parallel_access}
      %dma_start3A_115 = arith.constant 0 : i32
      %dma_start3A_116 = arith.constant 0 : i32
      %dma_start3A_117 = tpu.memref_slice %arg7[%dma_start3A_115, %dma_start3A_116] : memref<2x4096xf32, #tpu.memory_space<vmem>> -> memref<1x4096xf32, #tpu.memory_space<vmem>>
      %dma_start3A_118 = tpu.memref_squeeze %dma_start3A_117 : memref<1x4096xf32, #tpu.memory_space<vmem>> -> memref<4096xf32, #tpu.memory_space<vmem>>
      %dma_start3A_119 = arith.constant 8192 : i32
      %dma_start3A_120 = tpu.memref_slice %arg4[%shift_right_logical3A_41, %and3A_42, %dma_start3A_119] : memref<26x32x16384xf32, #tpu.memory_space<hbm>> -> memref<1x1x4096xf32, #tpu.memory_space<hbm>>
      %dma_start3A_121 = tpu.memref_squeeze %dma_start3A_120 : memref<1x1x4096xf32, #tpu.memory_space<hbm>> -> memref<4096xf32, #tpu.memory_space<hbm>>
      %dma_start3A_122 = arith.constant 8192 : i32
      %dma_start3A_123 = tpu.memref_slice %arg4[%shift_right_logical3A_41, %and3A_42, %dma_start3A_122] : memref<26x32x16384xf32, #tpu.memory_space<hbm>> -> memref<1x1x4096xf32, #tpu.memory_space<hbm>>
      %dma_start3A_124 = tpu.memref_squeeze %dma_start3A_123 : memref<1x1x4096xf32, #tpu.memory_space<hbm>> -> memref<4096xf32, #tpu.memory_space<hbm>>
      %dma_start3A_125 = arith.constant 0 : i32
      %dma_start3A_126 = tpu.memref_slice %arg7[%dma_start3A_115, %dma_start3A_125] : memref<2x4096xf32, #tpu.memory_space<vmem>> -> memref<1x4096xf32, #tpu.memory_space<vmem>>
      %dma_start3A_127 = tpu.memref_squeeze %dma_start3A_126 : memref<1x4096xf32, #tpu.memory_space<vmem>> -> memref<4096xf32, #tpu.memory_space<vmem>>
      tpu.enqueue_dma source(%dma_start3A_127 : memref<4096xf32, #tpu.memory_space<vmem>>) target(%dma_start3A_124 : memref<4096xf32, #tpu.memory_space<hbm>>) target_semaphore(%arg9 : memref<!tpu.dma_semaphore, #tpu.memory_space<semaphore_mem>>)
      %dma_wait3A_128 = arith.constant 1 : i32
      %dma_wait3A_129 = arith.constant 0 : i32
      %dma_wait3A_130 = tpu.memref_slice %arg7[%dma_wait3A_128, %dma_wait3A_129] : memref<2x4096xf32, #tpu.memory_space<vmem>> -> memref<1x4096xf32, #tpu.memory_space<vmem>>
      %dma_wait3A_131 = tpu.memref_squeeze %dma_wait3A_130 : memref<1x4096xf32, #tpu.memory_space<vmem>> -> memref<4096xf32, #tpu.memory_space<vmem>>
      %dma_wait3A_132 = arith.constant 12288 : i32
      %dma_wait3A_133 = tpu.memref_slice %arg4[%shift_right_logical3A_41, %and3A_42, %dma_wait3A_132] : memref<26x32x16384xf32, #tpu.memory_space<hbm>> -> memref<1x1x4096xf32, #tpu.memory_space<hbm>>
      %dma_wait3A_134 = tpu.memref_squeeze %dma_wait3A_133 : memref<1x1x4096xf32, #tpu.memory_space<hbm>> -> memref<4096xf32, #tpu.memory_space<hbm>>
      %dma_wait3A_135 = arith.constant 0 : i32
      %dma_wait3A_136 = tpu.memref_slice %arg7[%dma_wait3A_128, %dma_wait3A_135] : memref<2x4096xf32, #tpu.memory_space<vmem>> -> memref<1x4096xf32, #tpu.memory_space<vmem>>
      %dma_wait3A_137 = tpu.memref_squeeze %dma_wait3A_136 : memref<1x4096xf32, #tpu.memory_space<vmem>> -> memref<4096xf32, #tpu.memory_space<vmem>>
      %dma_wait3A_138 = arith.constant 12288 : i32
      %dma_wait3A_139 = tpu.memref_slice %arg4[%shift_right_logical3A_41, %and3A_42, %dma_wait3A_138] : memref<26x32x16384xf32, #tpu.memory_space<hbm>> -> memref<1x1x4096xf32, #tpu.memory_space<hbm>>
      %dma_wait3A_140 = tpu.memref_squeeze %dma_wait3A_139 : memref<1x1x4096xf32, #tpu.memory_space<hbm>> -> memref<4096xf32, #tpu.memory_space<hbm>>
      tpu.wait_dma2 semaphore(%arg10 : memref<!tpu.dma_semaphore, #tpu.memory_space<semaphore_mem>>) src(%dma_wait3A_140 : memref<4096xf32, #tpu.memory_space<hbm>>) dst(%dma_wait3A_137 : memref<4096xf32, #tpu.memory_space<vmem>>)
      %parallel_loop3A_141 = arith.constant 0 : i32
      %parallel_loop3A_142 = arith.constant 4096 : i32
      %parallel_loop3A_143 = arith.constant 16 : i32
      scf.for %parallel_loop3A_157 = %parallel_loop3A_141 to %parallel_loop3A_142 step %parallel_loop3A_143  : i32 {
        %parallel_loop3A_158 = arith.constant 12288 : i32
        %parallel_loop3A_159 = arith.addi %parallel_loop3A_158, %parallel_loop3A_157 : i32
        %parallel_loop3A_160 = arith.index_cast %parallel_loop3A_159 : i32 to index
        %parallel_loop3A_161 = tpu.vector_load %arg6[%parallel_loop3A_160] {strides = array<i32>} : memref<16384xi32, #tpu.memory_space<vmem>>, vector<16xi32>,
        %parallel_loop3A_162 = arith.constant 1 : i32
        %parallel_loop3A_163 = vector.broadcast %parallel_loop3A_162 : i32 to vector<16xi32>
        %parallel_loop3A_164 = arith.addi %parallel_loop3A_161, %parallel_loop3A_163 : vector<16xi32>
        %parallel_loop3A_165 = tpu.vector_load_idx %arg5[%parallel_loop3A_164] : memref<100001xf32, #tpu.memory_space<vmem>>[vector<16xi32>], vector<16xf32>,
        %parallel_loop3A_166 = arith.constant 1 : i32
        %parallel_loop3A_167 = arith.index_cast %parallel_loop3A_166 : i32 to index
        %parallel_loop3A_168 = arith.index_cast %parallel_loop3A_157 : i32 to index
        %parallel_loop3A_169 = tpu.vector_load %arg7[%parallel_loop3A_167, %parallel_loop3A_168] {strides = array<i32>} : memref<2x4096xf32, #tpu.memory_space<vmem>>, vector<16xf32>,
        tpu.vector_store %arg7[%parallel_loop3A_167, %parallel_loop3A_168], %parallel_loop3A_165 {strides = array<i32>} : memref<2x4096xf32, #tpu.memory_space<vmem>>, vector<16xf32>,
      } {sc.loop_unroll_factor = 8 : i64, sc.parallel_access}
      %dma_start3A_144 = arith.constant 1 : i32
      %dma_start3A_145 = arith.constant 0 : i32
      %dma_start3A_146 = tpu.memref_slice %arg7[%dma_start3A_144, %dma_start3A_145] : memref<2x4096xf32, #tpu.memory_space<vmem>> -> memref<1x4096xf32, #tpu.memory_space<vmem>>
      %dma_start3A_147 = tpu.memref_squeeze %dma_start3A_146 : memref<1x4096xf32, #tpu.memory_space<vmem>> -> memref<4096xf32, #tpu.memory_space<vmem>>
      %dma_start3A_148 = arith.constant 12288 : i32
      %dma_start3A_149 = tpu.memref_slice %arg4[%shift_right_logical3A_41, %and3A_42, %dma_start3A_148] : memref<26x32x16384xf32, #tpu.memory_space<hbm>> -> memref<1x1x4096xf32, #tpu.memory_space<hbm>>
      %dma_start3A_150 = tpu.memref_squeeze %dma_start3A_149 : memref<1x1x4096xf32, #tpu.memory_space<hbm>> -> memref<4096xf32, #tpu.memory_space<hbm>>
      %dma_start3A_151 = arith.constant 12288 : i32
      %dma_start3A_152 = tpu.memref_slice %arg4[%shift_right_logical3A_41, %and3A_42, %dma_start3A_151] : memref<26x32x16384xf32, #tpu.memory_space<hbm>> -> memref<1x1x4096xf32, #tpu.memory_space<hbm>>
      %dma_start3A_153 = tpu.memref_squeeze %dma_start3A_152 : memref<1x1x4096xf32, #tpu.memory_space<hbm>> -> memref<4096xf32, #tpu.memory_space<hbm>>
      %dma_start3A_154 = arith.constant 0 : i32
      %dma_start3A_155 = tpu.memref_slice %arg7[%dma_start3A_144, %dma_start3A_154] : memref<2x4096xf32, #tpu.memory_space<vmem>> -> memref<1x4096xf32, #tpu.memory_space<vmem>>
      %dma_start3A_156 = tpu.memref_squeeze %dma_start3A_155 : memref<1x4096xf32, #tpu.memory_space<vmem>> -> memref<4096xf32, #tpu.memory_space<vmem>>
      tpu.enqueue_dma source(%dma_start3A_156 : memref<4096xf32, #tpu.memory_space<vmem>>) target(%dma_start3A_153 : memref<4096xf32, #tpu.memory_space<hbm>>) target_semaphore(%arg10 : memref<!tpu.dma_semaphore, #tpu.memory_space<semaphore_mem>>)
    }
    %scan3A_8 = arith.constant 26 : i32
    %dma_wait3A = arith.constant 0 : i32
    %dma_wait3A_9 = arith.constant 0 : i32
    %dma_wait3A_10 = arith.constant 0 : i32
    %dma_wait3A_11 = arith.constant 0 : i32
    %dma_wait3A_12 = tpu.memref_slice %arg7[%dma_wait3A_10, %dma_wait3A_11] : memref<2x4096xf32, #tpu.memory_space<vmem>> -> memref<1x4096xf32, #tpu.memory_space<vmem>>
    %dma_wait3A_13 = tpu.memref_squeeze %dma_wait3A_12 : memref<1x4096xf32, #tpu.memory_space<vmem>> -> memref<4096xf32, #tpu.memory_space<vmem>>
    %dma_wait3A_14 = arith.constant 0 : i32
    %dma_wait3A_15 = tpu.memref_slice %arg4[%dma_wait3A, %dma_wait3A_9, %dma_wait3A_14] : memref<26x32x16384xf32, #tpu.memory_space<hbm>> -> memref<1x1x4096xf32, #tpu.memory_space<hbm>>
    %dma_wait3A_16 = tpu.memref_squeeze %dma_wait3A_15 : memref<1x1x4096xf32, #tpu.memory_space<hbm>> -> memref<4096xf32, #tpu.memory_space<hbm>>
    %dma_wait3A_17 = arith.constant 0 : i32
    %dma_wait3A_18 = tpu.memref_slice %arg7[%dma_wait3A_10, %dma_wait3A_17] : memref<2x4096xf32, #tpu.memory_space<vmem>> -> memref<1x4096xf32, #tpu.memory_space<vmem>>
    %dma_wait3A_19 = tpu.memref_squeeze %dma_wait3A_18 : memref<1x4096xf32, #tpu.memory_space<vmem>> -> memref<4096xf32, #tpu.memory_space<vmem>>
    %dma_wait3A_20 = arith.constant 0 : i32
    %dma_wait3A_21 = tpu.memref_slice %arg4[%dma_wait3A, %dma_wait3A_9, %dma_wait3A_20] : memref<26x32x16384xf32, #tpu.memory_space<hbm>> -> memref<1x1x4096xf32, #tpu.memory_space<hbm>>
    %dma_wait3A_22 = tpu.memref_squeeze %dma_wait3A_21 : memref<1x1x4096xf32, #tpu.memory_space<hbm>> -> memref<4096xf32, #tpu.memory_space<hbm>>
    tpu.wait_dma2 semaphore(%arg9 : memref<!tpu.dma_semaphore, #tpu.memory_space<semaphore_mem>>) src(%dma_wait3A_22 : memref<4096xf32, #tpu.memory_space<hbm>>) dst(%dma_wait3A_19 : memref<4096xf32, #tpu.memory_space<vmem>>)
    %dma_wait3A_23 = arith.constant 0 : i32
    %dma_wait3A_24 = arith.constant 0 : i32
    %dma_wait3A_25 = arith.constant 1 : i32
    %dma_wait3A_26 = arith.constant 0 : i32
    %dma_wait3A_27 = tpu.memref_slice %arg7[%dma_wait3A_25, %dma_wait3A_26] : memref<2x4096xf32, #tpu.memory_space<vmem>> -> memref<1x4096xf32, #tpu.memory_space<vmem>>
    %dma_wait3A_28 = tpu.memref_squeeze %dma_wait3A_27 : memref<1x4096xf32, #tpu.memory_space<vmem>> -> memref<4096xf32, #tpu.memory_space<vmem>>
    %dma_wait3A_29 = arith.constant 0 : i32
    %dma_wait3A_30 = tpu.memref_slice %arg4[%dma_wait3A_23, %dma_wait3A_24, %dma_wait3A_29] : memref<26x32x16384xf32, #tpu.memory_space<hbm>> -> memref<1x1x4096xf32, #tpu.memory_space<hbm>>
    %dma_wait3A_31 = tpu.memref_squeeze %dma_wait3A_30 : memref<1x1x4096xf32, #tpu.memory_space<hbm>> -> memref<4096xf32, #tpu.memory_space<hbm>>
    %dma_wait3A_32 = arith.constant 0 : i32
    %dma_wait3A_33 = tpu.memref_slice %arg7[%dma_wait3A_25, %dma_wait3A_32] : memref<2x4096xf32, #tpu.memory_space<vmem>> -> memref<1x4096xf32, #tpu.memory_space<vmem>>
    %dma_wait3A_34 = tpu.memref_squeeze %dma_wait3A_33 : memref<1x4096xf32, #tpu.memory_space<vmem>> -> memref<4096xf32, #tpu.memory_space<vmem>>
    %dma_wait3A_35 = arith.constant 0 : i32
    %dma_wait3A_36 = tpu.memref_slice %arg4[%dma_wait3A_23, %dma_wait3A_24, %dma_wait3A_35] : memref<26x32x16384xf32, #tpu.memory_space<hbm>> -> memref<1x1x4096xf32, #tpu.memory_space<hbm>>
    %dma_wait3A_37 = tpu.memref_squeeze %dma_wait3A_36 : memref<1x1x4096xf32, #tpu.memory_space<hbm>> -> memref<4096xf32, #tpu.memory_space<hbm>>
    tpu.wait_dma2 semaphore(%arg10 : memref<!tpu.dma_semaphore, #tpu.memory_space<semaphore_mem>>) src(%dma_wait3A_37 : memref<4096xf32, #tpu.memory_space<hbm>>) dst(%dma_wait3A_34 : memref<4096xf32, #tpu.memory_space<vmem>>)
    return
  }
}

module attributes {stable_mosaic.version = 14 : i64} {
  func.func @_scale_body(%arg0: i32, %arg1: i32, %arg2: memref<1x32x32768xf32, #tpu.memory_space<vmem>>, %arg3: memref<1x8x128xf32, #tpu.memory_space<vmem>>) attributes {dimension_semantics = [#tpu.dimension_semantics<parallel>, #tpu.dimension_semantics<arbitrary>], iteration_bounds = array<i64: 26, 4>, scalar_prefetch = 0 : i64, scratch_operands = 0 : i64, tpu.core_type = #tpu.core_type<tc>, window_params = [{transform_indices = @transform_0, window_bounds = array<i64: 1, 32, 32768>}, {transform_indices = @transform_1, window_bounds = array<i64: 1, 8, 128>}]} {
    %eq3A = arith.constant 0 : i32
    %eq3A_0 = arith.cmpi eq, %arg1, %eq3A : i32
    %convert_element_type3A = arith.extui %eq3A_0 : i1 to i32
    %cond3A = arith.constant 0 : i32
    %cond3A_1 = arith.cmpi ne, %convert_element_type3A, %cond3A : i32
    scf.if %cond3A_1 {
      %broadcast_in_dim3A = arith.constant 0.000000e+00 : f32
      %broadcast_in_dim3A_15 = vector.broadcast %broadcast_in_dim3A : f32 to vector<1x8x128xf32>
      %swap3A = arith.constant 0 : index
      %swap3A_16 = arith.constant 0 : index
      %swap3A_17 = arith.constant 0 : index
      %swap3A_18 = vector.load %arg3[%swap3A, %swap3A_16, %swap3A_17] : memref<1x8x128xf32, #tpu.memory_space<vmem>>, vector<1x8x128xf32>
      tpu.vector_store %arg3[%swap3A, %swap3A_16, %swap3A_17], %broadcast_in_dim3A_15 {strides = array<i32>} : memref<1x8x128xf32, #tpu.memory_space<vmem>>, vector<1x8x128xf32>,
    } else {
    }
    %get3A = arith.constant 0 : index
    %get3A_2 = arith.constant 0 : index
    %get3A_3 = arith.constant 0 : index
    %get3A_4 = vector.load %arg2[%get3A, %get3A_2, %get3A_3] : memref<1x32x32768xf32, #tpu.memory_space<vmem>>, vector<1x32x32768xf32>
    %get3A_5 = vector.shape_cast %get3A_4 : vector<1x32x32768xf32> to vector<32x32768xf32>
    %abs3A = math.absf %get3A_5 : vector<32x32768xf32>
    %lt3A = arith.constant 3 : i32
    %lt3A_6 = arith.cmpi slt, %arg1, %lt3A : i32
    %convert_element_type3A_7 = arith.extui %lt3A_6 : i1 to i32
    %cond3A_8 = arith.constant 0 : i32
    %cond3A_9 = arith.cmpi ne, %convert_element_type3A_7, %cond3A_8 : i32
    scf.if %cond3A_9 {
      %get3A_15 = arith.constant 0 : index
      %get3A_16 = arith.constant 0 : index
      %get3A_17 = arith.constant 0 : index
      %get3A_18 = vector.load %arg3[%get3A_15, %get3A_16, %get3A_17] : memref<1x8x128xf32, #tpu.memory_space<vmem>>, vector<1x8x128xf32>
      %reduce_max3A = vector.shape_cast %abs3A : vector<32x32768xf32> to vector<1x32x32768xf32>
      %reduce_max3A_19 = arith.constant dense<0xFF800000> : vector<1xf32>
      %reduce_max3A_20 = vector.multi_reduction <maximumf>, %reduce_max3A, %reduce_max3A_19 [1, 2] : vector<1x32x32768xf32> to vector<1xf32>
      %reduce_max3A_21 = vector.shape_cast %reduce_max3A_20 : vector<1xf32> to vector<1x1x1xf32>
      %reduce_max3A_22 = vector.extract %reduce_max3A_21[0, 0, 0] : f32 from vector<1x1x1xf32>
      %max3A = vector.broadcast %reduce_max3A_22 : f32 to vector<1x8x128xf32>
      %max3A_23 = arith.maximumf %get3A_18, %max3A : vector<1x8x128xf32>
      %swap3A = arith.constant 0 : index
      %swap3A_24 = arith.constant 0 : index
      %swap3A_25 = arith.constant 0 : index
      %swap3A_26 = vector.load %arg3[%swap3A, %swap3A_24, %swap3A_25] : memref<1x8x128xf32, #tpu.memory_space<vmem>>, vector<1x8x128xf32>
      tpu.vector_store %arg3[%swap3A, %swap3A_24, %swap3A_25], %max3A_23 {strides = array<i32>} : memref<1x8x128xf32, #tpu.memory_space<vmem>>, vector<1x8x128xf32>,
    } else {
    }
    %eq3A_10 = arith.constant 3 : i32
    %eq3A_11 = arith.cmpi eq, %arg1, %eq3A_10 : i32
    %convert_element_type3A_12 = arith.extui %eq3A_11 : i1 to i32
    %cond3A_13 = arith.constant 0 : i32
    %cond3A_14 = arith.cmpi ne, %convert_element_type3A_12, %cond3A_13 : i32
    scf.if %cond3A_14 {
      %mul3A = arith.constant 32768 : i32
      %mul3A_15 = arith.muli %arg1, %mul3A : i32
      %sub3A = arith.constant 100001 : i32
      %sub3A_16 = arith.subi %sub3A, %mul3A_15 : i32
      %iota3A = tpu.iota {dimensions = array<i32: 1>} : vector<32x32768xi32>
      %lt3A_17 = vector.broadcast %sub3A_16 : i32 to vector<32x32768xi32>
      %lt3A_18 = arith.cmpi slt, %iota3A, %lt3A_17 : vector<32x32768xi32>
      %jit3A = arith.constant 0.000000e+00 : f32
      %broadcast_in_dim3A = vector.broadcast %jit3A : f32 to vector<32x32768xf32>
      %select_n3A = arith.select %lt3A_18, %abs3A, %broadcast_in_dim3A : vector<32x32768xi1>, vector<32x32768xf32>
      %reduce_max3A = vector.shape_cast %select_n3A : vector<32x32768xf32> to vector<1x32x32768xf32>
      %reduce_max3A_19 = arith.constant dense<0xFF800000> : vector<1xf32>
      %reduce_max3A_20 = vector.multi_reduction <maximumf>, %reduce_max3A, %reduce_max3A_19 [1, 2] : vector<1x32x32768xf32> to vector<1xf32>
      %reduce_max3A_21 = vector.shape_cast %reduce_max3A_20 : vector<1xf32> to vector<1x1x1xf32>
      %reduce_max3A_22 = vector.extract %reduce_max3A_21[0, 0, 0] : f32 from vector<1x1x1xf32>
      %get3A_23 = arith.constant 0 : index
      %get3A_24 = arith.constant 0 : index
      %get3A_25 = arith.constant 0 : index
      %get3A_26 = vector.load %arg3[%get3A_23, %get3A_24, %get3A_25] : memref<1x8x128xf32, #tpu.memory_space<vmem>>, vector<1x8x128xf32>
      %max3A = vector.broadcast %reduce_max3A_22 : f32 to vector<1x8x128xf32>
      %max3A_27 = arith.maximumf %get3A_26, %max3A : vector<1x8x128xf32>
      %div3A = arith.constant 2.000000e-01 : f32
      %div3A_28 = vector.broadcast %div3A : f32 to vector<1x8x128xf32>
      %div3A_29 = arith.divf %div3A_28, %max3A_27 : vector<1x8x128xf32>
      %swap3A = arith.constant 0 : index
      %swap3A_30 = arith.constant 0 : index
      %swap3A_31 = arith.constant 0 : index
      %swap3A_32 = vector.load %arg3[%swap3A, %swap3A_30, %swap3A_31] : memref<1x8x128xf32, #tpu.memory_space<vmem>>, vector<1x8x128xf32>
      tpu.vector_store %arg3[%swap3A, %swap3A_30, %swap3A_31], %div3A_29 {strides = array<i32>} : memref<1x8x128xf32, #tpu.memory_space<vmem>>, vector<1x8x128xf32>,
    } else {
    }
    return
  }
  func.func @transform_0(%arg0: i32, %arg1: i32) -> (i32, i32, i32) {
    %c0_i32 = arith.constant 0 : i32
    %c0_i32_0 = arith.constant 0 : i32
    return %arg0, %c0_i32, %arg1 : i32, i32, i32
  }
  func.func @transform_1(%arg0: i32, %arg1: i32) -> (i32, i32, i32) {
    %c0_i32 = arith.constant 0 : i32
    %c0_i32_0 = arith.constant 0 : i32
    %c0_i32_1 = arith.constant 0 : i32
    return %arg0, %c0_i32, %c0_i32_0 : i32, i32, i32
  }
}

module attributes {stable_mosaic.version = 14 : i64} {
  func.func @_tanh_body(%arg0: i32, %arg1: i32, %arg2: memref<1x32x16384xf32, #tpu.memory_space<vmem>>, %arg3: memref<1x8x128xf32, #tpu.memory_space<vmem>>, %arg4: memref<1x32x16384xf32, #tpu.memory_space<vmem>>) attributes {dimension_semantics = [#tpu.dimension_semantics<parallel>, #tpu.dimension_semantics<parallel>], iteration_bounds = array<i64: 26, 1>, scalar_prefetch = 0 : i64, scratch_operands = 0 : i64, tpu.core_type = #tpu.core_type<tc>, window_params = [{transform_indices = @transform_0, window_bounds = array<i64: 1, 32, 16384>}, {transform_indices = @transform_1, window_bounds = array<i64: 1, 8, 128>}, {transform_indices = @transform_2, window_bounds = array<i64: 1, 32, 16384>}]} {
    %get3A = arith.constant 0 : index
    %get3A_0 = arith.constant 0 : index
    %get3A_1 = arith.constant 0 : index
    %get3A_2 = vector.load %arg2[%get3A, %get3A_0, %get3A_1] : memref<1x32x16384xf32, #tpu.memory_space<vmem>>, vector<1x32x16384xf32>
    %get3A_3 = arith.constant 0 : index
    %get3A_4 = arith.constant 0 : index
    %get3A_5 = arith.constant 0 : index
    %get3A_6 = vector.load %arg3[%get3A_3, %get3A_4, %get3A_5] : memref<1x8x128xf32, #tpu.memory_space<vmem>>, vector<1x1x1xf32>
    %get3A_7 = vector.extract %get3A_6[0, 0, 0] : f32 from vector<1x1x1xf32>
    %mul3A = vector.broadcast %get3A_7 : f32 to vector<1x32x16384xf32>
    %mul3A_8 = arith.mulf %get3A_2, %mul3A : vector<1x32x16384xf32>
    %tanh3A = math.tanh %mul3A_8 : vector<1x32x16384xf32>
    %swap3A = arith.constant 0 : index
    %swap3A_9 = arith.constant 0 : index
    %swap3A_10 = arith.constant 0 : index
    %swap3A_11 = vector.load %arg4[%swap3A, %swap3A_9, %swap3A_10] : memref<1x32x16384xf32, #tpu.memory_space<vmem>>, vector<1x32x16384xf32>
    tpu.vector_store %arg4[%swap3A, %swap3A_9, %swap3A_10], %tanh3A {strides = array<i32>} : memref<1x32x16384xf32, #tpu.memory_space<vmem>>, vector<1x32x16384xf32>,
    return
  }
  func.func @transform_0(%arg0: i32, %arg1: i32) -> (i32, i32, i32) {
    %c0_i32 = arith.constant 0 : i32
    %c0_i32_0 = arith.constant 0 : i32
    return %arg0, %c0_i32, %arg1 : i32, i32, i32
  }
  func.func @transform_1(%arg0: i32, %arg1: i32) -> (i32, i32, i32) {
    %c0_i32 = arith.constant 0 : i32
    %c0_i32_0 = arith.constant 0 : i32
    %c0_i32_1 = arith.constant 0 : i32
    return %arg0, %c0_i32, %c0_i32_0 : i32, i32, i32
  }
  func.func @transform_2(%arg0: i32, %arg1: i32) -> (i32, i32, i32) {
    %c0_i32 = arith.constant 0 : i32
    %c0_i32_0 = arith.constant 0 : i32
    return %arg0, %c0_i32, %arg1 : i32, i32, i32
  }
}

</mosaic_0001>

<sc_bundles>
// kernel: kernel.5.cloned.1.call-start
scs
__scs_entry_jumppad:
0x0: {  	(pc) =	sbr.rel $0x88, $3  }
0x1: {  	(tag) =	ssettag $0x0;
	lr =	simm.s32 $0x1  }
0x2: {  	[smem:$0x3F9F] =	sst lr;
	_ =	strace $0xD0000000  }
0x3: {  	_ = 	snop  }
0x4: {  	_ = 	snop  }
0x5: {  	_ = 	snop  }
0x6: {  	_ = 	snop  }
0x7: {  	_ = 	snop  }
__scs_overlays_trampoline_lowered:
0x8: {  	[smem:$0x3FAE] =	sst s0  }
0x9: {  	[smem:$0x3FAF] =	sst s1  }
0xa: {  	[smem:$0x3FB0] =	sst s2  }
0xb: {  	[smem:$0x3FB1] =	sst s3  }
0xc: {  	[smem:$0x3FB2] =	sst s4  }
0xd: {  	[smem:$0x3FB3] =	sst s5  }
0xe: {  	[smem:$0x3FB4] =	sst s6  }
0xf: {  	[smem:$0x3FB5] =	sst s7  }
0x10: {  	[smem:$0x3FB6] =	sst s8  }
0x11: {  	[smem:$0x3FB7] =	sst s9;
	s0 =	simm.s32 @!p0 $0x0  }
0x12: {  	s1 =	sld [smem:$0x3F9D];
	s0 =	simm.s32 @p0 $0x1  }
0x13: {  	[smem:$0x3FB8] =	sst s0;
	s0 =	simm.s32 @!p1 $0x0  }
0x14: {  	s2 =	sld [smem:$0x3F9C];
	s0 =	simm.s32 @p1 $0x1  }
0x15: {  	[smem:$0x3FB9] =	sst s0;
	s0 =	simm.s32 @!p2 $0x0  }
0x16: {  	s3 =	sld [smem:$0x3FDB];
	s0 =	simm.s32 @p2 $0x1  }
0x17: {  	s4 =	simm.s32 $0x1BF5;
	[smem:$0x3FBB] =	sst s0  }
0x18: {  	s0 =	sld [smem:$0x3F9E];
	_ =	swait.ge [sflag:s4], $0x0  }
0x19: {  	s7 =	sld [smem:$0x3F9F]  }
0x1a: {  	s8 =	sadd.s32 $0xFFFFE003, lr  }
0x1b: {  	s9 =	sadd.s32 $0xFFFFFEF7, lr;
	s5 =	simm.s32 $0xFFFFFFFF;
	p2 =	slt.u32 s8, $0xFFFFF086  }
0x1c: {  	p1 =	slt.u32 s9, $0xF7A;
	s5 =	simm.s32 @!p2 $0x0  }
0x1d: {  	s5 =	simm.s32 @p1 $0x1;
	p0 =	seq.s32 s7, s2  }
0x1e: {  	s7 =	smul.u32 @!p0 $0xF7A, s2;
	p2 =	seq.s32 @!p0 s5, $0x0  }
0x1f: {  	s9 =	smul.u32 $0xF7A, s1;
	s8 =	simm.s32 @!p0 $0x1BF5;
	p2 =	por !p2, p0  }
0x20: {  	[sflag:s8] =	ssyncset.s32 @!p0 $0xFFFFF086;
	s6 =	sadd.s32 @!p0 s3, s7;
	s7 =	simm.s32 @!p0 $0x108  }
0x21: {  	s3 =	sadd.s32 s3, s9;
	s6 =	sadd.s32 @!p0 $0x88, s6;
	s7 =	simm.s32 @p2 $0x1082  }
0x22: {  	[simem:s7], [sflag:s8] =	dma.local @!p0 [hbm:s6], $0xF7A  }
0x23: {  	s9 =	sor.u32 $0xD0000000, s2;
	s6 =	simm.s32 $0x108;
	_ =	swait.ge @!p0 [sflag:s8], $0x0  }
0x24: {  	s3 =	sadd.s32 $0x88, s3;
	s6 =	simm.s32 @!p1 $0x1082;
	[sflag:s4] =	ssyncset.s32 $0xFFFFF086  }
0x25: {  	[simem:s6], [sflag:s4] =	dma.local [hbm:s3], $0xF7A  }
0x26: {  	[smem:$0x3F9F] =	sst s1;
	(tag) =	ssettag s2;
	_ =	strace s9  }
0x27: {  	s1 =	sld [smem:$0x3FAF]  }
0x28: {  	s2 =	sld [smem:$0x3FB0]  }
0x29: {  	s4 =	sld [smem:$0x3FB2]  }
0x2a: {  	p0 =	seq.s32 s5, $0x0;
	s5 =	sld [smem:$0x3FB3]  }
0x2b: {  	s6 =	sld [smem:$0x3FB4]  }
0x2c: {  	s7 =	sld [smem:$0x3FB5]  }
0x2d: {  	s3 =	simm.s32 $0x108;
	s8 =	sld [smem:$0x3FB6]  }
0x2e: {  	s3 =	simm.s32 @!p0 $0x1082;
	s9 =	sld [smem:$0x3FB7]  }
0x2f: {  	lr =	sadd.s32 s0, s3;
	s0 =	sld [smem:$0x3FAE]  }
0x30: {  	s3 =	sld [smem:$0x3FB1]  }
0x31: {  	[smem:$0x3FBA] =	sst s10  }
0x32: {  	s10 =	sld [smem:$0x3FB8];
	_ =	sdelay $0x3  }
0x33: {  	p0 =	seq.s32 s10, $0x1;
	s10 =	sld [smem:$0x3FBA];
	_ =	sdelay $0x3  }
0x34: {  	[smem:$0x3FBA] =	sst s10  }
0x35: {  	s10 =	sld [smem:$0x3FB9];
	_ =	sdelay $0x3  }
0x36: {  	p1 =	seq.s32 s10, $0x1;
	s10 =	sld [smem:$0x3FBA];
	_ =	sdelay $0x3  }
0x37: {  	[smem:$0x3FBA] =	sst s10  }
0x38: {  	s10 =	sld [smem:$0x3FBB]  }
0x39: {  	_ = 	snop;
	(pc) =	sbr.ind lr, $3  }
0x3a: {  	_ = 	snop  }
0x3b: {  	_ = 	snop  }
0x3c: {  	p2 =	seq.s32 s10, $0x1;
	s10 =	sld [smem:$0x3FBA]  }
0x3d: {  	_ =	shalt  }
0x3e: {  	_ =	shalt  }
0x3f: {  	_ =	shalt  }
0x40: {  	_ =	shalt  }
0x41: {  	_ =	shalt  }
0x42: {  	_ =	shalt  }
0x43: {  	_ =	shalt  }
0x44: {  	_ =	shalt  }
0x45: {  	_ =	shalt  }
0x46: {  	_ =	shalt  }
0x47: {  	_ =	shalt  }
0x48: {  	_ =	shalt  }
0x49: {  	_ =	shalt  }
0x4a: {  	_ =	shalt  }
0x4b: {  	_ =	shalt  }
0x4c: {  	_ =	shalt  }
0x4d: {  	_ =	shalt  }
0x4e: {  	_ =	shalt  }
0x4f: {  	_ =	shalt  }
0x50: {  	_ =	shalt  }
0x51: {  	_ =	shalt  }
0x52: {  	_ =	shalt  }
0x53: {  	_ =	shalt  }
0x54: {  	_ =	shalt  }
0x55: {  	_ =	shalt  }
0x56: {  	_ =	shalt  }
0x57: {  	_ =	shalt  }
0x58: {  	_ =	shalt  }
0x59: {  	_ =	shalt  }
0x5a: {  	_ =	shalt  }
0x5b: {  	_ =	shalt  }
0x5c: {  	_ =	shalt  }
0x5d: {  	_ =	shalt  }
0x5e: {  	_ =	shalt  }
0x5f: {  	_ =	shalt  }
0x60: {  	_ =	shalt  }
0x61: {  	_ =	shalt  }
0x62: {  	_ =	shalt  }
0x63: {  	_ =	shalt  }
0x64: {  	_ =	shalt  }
0x65: {  	_ =	shalt  }
0x66: {  	_ =	shalt  }
0x67: {  	_ =	shalt  }
0x68: {  	_ =	shalt  }
0x69: {  	_ =	shalt  }
0x6a: {  	_ =	shalt  }
0x6b: {  	_ =	shalt  }
0x6c: {  	_ =	shalt  }
0x6d: {  	_ =	shalt  }
0x6e: {  	_ =	shalt  }
0x6f: {  	_ =	shalt  }
0x70: {  	_ =	shalt  }
0x71: {  	_ =	shalt  }
0x72: {  	_ =	shalt  }
0x73: {  	_ =	shalt  }
0x74: {  	_ =	shalt  }
0x75: {  	_ =	shalt  }
0x76: {  	_ =	shalt  }
0x77: {  	_ =	shalt  }
0x78: {  	_ =	shalt  }
0x79: {  	_ =	shalt  }
0x7a: {  	_ =	shalt  }
0x7b: {  	_ =	shalt  }
0x7c: {  	_ =	shalt  }
0x7d: {  	_ =	shalt  }
0x7e: {  	_ =	shalt  }
0x7f: {  	_ =	shalt  }
0x80: {  	_ =	shalt  }
0x81: {  	_ =	shalt  }
0x82: {  	_ =	shalt  }
0x83: {  	_ =	shalt  }
0x84: {  	_ =	shalt  }
0x85: {  	_ =	shalt  }
0x86: {  	_ =	shalt  }
0x87: {  	_ =	shalt  }
.Lfunc_end0:
.L_simem_size_0:
called_computation_lowered:
.L_overlay_start_0:
0x88: {  	s2 =	sld [smem:$0x3FD9]  }
0x89: {  	s3 =	sld [smem:$0x3FFE];
	_ =	sdelay $0x1  }
0x8a: {  	s1 =	srdreg.scid  }
0x8b: {  	s0 =	sand.u32 $0x1, s1  }
0x8c: {  	s17 =	sshll.u32 s0, $0xA;
	s2 =	sadd.s32 s3, s2  }
0x8d: {  	s2 =	sadd.s32 s2, s17  }
0x8e: {  	[smem:$0x3FC6] =	sst s2  }
0x8f: {  	_ = 	snop  }
0x90: {  	s2 =	sld [smem:$0x3FC9]  }
0x91: {  	s18 =	sld [smem:$0x3FC8];
	(tm) =	ssettm $0x1  }
0x92: {  	s4 =	sld [smem:$0x3FFB];
	_ =	sdelay $0x3  }
0x93: {  	_ =	strace s4  }
0x94: {  	s4 =	sld [smem:$0x3FFC];
	_ =	sdelay $0x3  }
0x95: {  	_ =	strace s4  }
0x96: {  	s4 =	sld [smem:$0x3FFD];
	_ =	sdelay $0x3  }
0x97: {  	_ =	strace s4  }
0x98: {  	_ =	strace $0x8FFFFFFF  }
0x99: {  	s19 =	sld [smem:$0x3FDB];
	_ =	sdelay $0x1  }
0x9a: {  	s5 =	simm.s32 $_scs_section_size  }
0x9b: {  	s6 =	simm.s32 $_size__tile_overlayer_lowered;
	s7 =	simm.s32 $_tile_overlayer_lowered  }
0x9c: {  	s22 =	simm.s32 $0x1BFF;
	s21 =	sshll.u32 s7, $0x1;
	s4 =	sadd.s32 s5, s19  }
0x9d: {  	s8 =	simm.s32 $0x0;
	s20 =	sshll.u32 s6, $0x1;
	s6 =	sadd.s32 s21, s4  }
0x9e: {  	[timem:s8], [sflag:s22] =	dma.local [hbm:s6], s20  }
0x9f: {  	_ =	swait.ge [sflag:s22], s20  }
0xa0: {  	s5 =	ssub.s32 $0x0, s20;
	[sflag:s22] =	ssyncset.done $0x0  }
0xa1: {  	[sflag:s22] =	ssyncadd.s32 s5;
	_ =	sdelay $0x1  }
0xa2: {  	s23 =	simm.s32 $0x1B8B  }
0xa3: {  	_ =	swait.ge [sflag:s23], $0x1  }
0xa4: {  	[sflag:s23] =	ssyncset.done $0x0  }
0xa5: {  	s25 =	simm.s32 $0x1B8E;
	s24 =	sld [smem:$0x3FFE];
	[sflag:s23] =	ssyncadd.s32 $0xFFFFFFFF  }
0xa6: {  	s26 =	simm.s32 $execute0_lowered;
	[smem:$0x3FD2] =	sst s25  }
0xa7: {  	s6 =	sshll.u32 s26, $0x1;
	_ =	strace $0x80000046;
	[dreg:$0x1] =	wrdreg $0xFFFFFFFF  }
0xa8: {  	s28 =	simm.s32 $_size_execute0_lowered;
	s4 =	sadd.s32 s4, s6;
	[dreg:$0x0] =	wrdreg $0x0  }
0xa9: {  	s6 =	sshll.u32 s28, $0x1;
	[dreg:$0x2] =	wrdreg s4  }
0xaa: {  	[dreg:$0x3] =	wrdreg s6  }
0xab: {  	[dreg:$0x4] =	wrdreg $0xC0  }
0xac: {  	_ =	task [dreg:s8], $0x5FFFF  }
0xad: {  	[dreg:$0x1] =	wrdreg $0xFFFFFFFF  }
0xae: {  	[dreg:$0x0] =	wrdreg $0x60  }
0xaf: {  	[dreg:$0x2] =	wrdreg s18  }
0xb0: {  	[dreg:$0x3] =	wrdreg s2  }
0xb1: {  	[dreg:$0x4] =	wrdreg s24  }
0xb2: {  	[dreg:$0x5] =	wrdreg $0x9  }
0xb3: {  	_ =	task.clear_ibuf [dreg:s8], $0x6FFFF;
	_ =	strace $0x90000046  }
0xb4: {  	s29 =	simm.s32 $0x9;
	_ =	strace $0x80000048  }
0xb5: {  	_ =	swait.ge [sflag:s29], $0x1  }
0xb6: {  	[sflag:s29] =	ssyncadd.s32 $0xFFFFFFFF  }
0xb7: {  	_ =	strace $0x90000048  }
0xb8: {  	_ =	sfence  }
0xb9: {  	s30 =	sld [smem:$0x0];
	_ =	sdelay $0x2  }
0xba: {  	s31 =	sshll.u32 s1, $0xD;
	s1 =	sshrl.u32 s1, $0x2  }
0xbb: {  	s3 =	sand.u32 $0x4000, s31;
	s1 =	sadd.s32 s1, s30  }
0xbc: {  	s0 =	sor.u32 s3, s0;
	s1 =	sshll.u32 s1, $0x11  }
0xbd: {  	s0 =	sor.u32 s1, s0  }
0xbe: {  	s0 =	sadd.s32 $0x8F2B, s0  }
0xbf: {  	[sflag:s0] =	ssyncadd.remote.s32 $0x1  }
0xc0: {  	_ =	sfence.sel $0xFFFF  }
0xc1: {  	[dreg:$0x0] =	wrdreg $0xFFFFFFFF;
	(pc) =	sbr.abs _section_cstart, $3  }
0xc2: {  	[dreg:$0x1] =	wrdreg $0xFFFFFFFF  }
0xc3: {  	_ =	task.clear_ibuf [dreg:s8], $0x2FFFF;
	_ =	strace $0x9FFFFFFF  }
0xc4: {  	(tm) =	ssettm $0x7FFFFFFF  }
0xc5: {  	_ =	shalt  }
tec
execute0_lowered:
.L_overlay_start_1:
0x0: {  	(tag) =	ssettag $0x1  }
0x1: {  	s2 =	rddreg [dreg:$0x0]  }
0x2: {  	s1 =	srdreg.scid;
	s3 =	rddreg [dreg:$0x1]  }
0x3: {  	s0 =	stileid.u32;
	s10 =	rddreg [dreg:$0x2]  }
0x4: {  	s4 =	simm.s32 $0x0;
	s12 =	simm.s32 $0x80;
	s13 =	simm.s32 $0x400  }
0x5: {  	s14 =	simm.s32 $0x18700;
	s5 =	sand.u32 $0x1, s1;
	s30 =	sshll.u32 s0, $0x1  }
0x6: {  	s15 =	simm.s32 $0x4;
	s16 =	simm.s32 $0x1;
	s6 =	sor.u32 s5, s30  }
0x7: {  	s17 =	simm.s32 $0x2;
	s18 =	simm.s32 $0x3;
	s7 =	smul.u32 $0x3400, s6  }
0x8: {  	s19 =	simm.s32 $0x0;
	[smem:$0x7FF] =	sst s4;
	s8 =	smul.u32 $0x68, s6  }
0x9: {  	s1 =	rddreg [dreg:$0x3];
	_ =	strace $0x80000047;
	s31 =	ssub.s32 $0x2, s5  }
0xa: {  	s5 =	sadd.s32 $0x400, s10;
	s9 =	sshrl.u32 s31, $0x1;
	s7 =	sor.u32 s8, s7  }
0xb: {  	s6 =	smul.u32 $0x1A, s6;
	s11 =	ssub.s32 s31, s9;
	s7 =	sand.u32 $0x60380, s7  }
0xc: {  	s9 =	sadd.s32 $0x2400, s10;
	s8 =	sadd.s32 $0x1400, s10;
	s7 =	sshrl.u32 s7, $0x3  }
0xd: {  	s10 =	sadd.s32 $0x3400, s10;
	s11 =	smax.u32 s11, $0x1;
	s7 =	sadd.s32 s3, s7  }
.LBB2_1:
0xe: {  	[tilespmem:s14], [sflag:$0x4] =	stream.strided.gather [hbm4b:s7+s12], $0x4000, s13, s12, $0x38;
	[tilespmem:$0x1E700] =	vst v63  }
0xf: {  	_ =	swait.ge [sflag:s15], $0x4000  }
0x10: {  	[sflag:s15] =	ssyncset.done $0x0  }
0x11: {  	s20 =	simm.s32 $0x0;
	[sflag:s15] =	ssyncadd.s32 $0xFFFFC000  }
.LBB2_2:
0x12: {  	s24 =	sadd.s32 s6, s20  }
0x13: {  	s21 =	sshrl.u32 s24, $0x5;
	s25 =	sand.u32 $0x1F, s24  }
0x14: {  	p0 =	seq.s32 s20, $0x0;
	s22 =	sshrl.u32 s25, $0x3;
	s26 =	smul.u32 $0x30E000, s21  }
0x15: {  	p1 =	sne.s32 @!p0 s25, $0x0;
	s28 =	smul.u32 $0xC3800, s22  }
0x16: {  	s23 =	sshll.u32 s24, $0x7;
	p1 =	por p0, p1  }
.Ltmp0:
0x17: {  	s23 =	sand.u32 $0x380, s23;
	s26 =	sadd.s32 s26, s28;
	(pc) =	sbr.rel @p1 .LBB2_4-.Ltmp0, $4  }
0x18: {  	s26 =	sor.u32 s23, s26  }
0x19: {  	s26 =	sshrl.u32 s26, $0x3  }
0x1a: {  	s26 =	sadd.s32 s2, s26  }
0x1b: {  	[tilespmem:s4], [sflag:$0x1] =	stream.strided.gather [hbm4b:s26+s12], $0x18700, s13, s12, $0x38;
	[tilespmem:$0x1E700] =	vst v63  }
0x1c: {  	s24 =	sshll.u32 s24, $0x6  }
0x1d: {  	s25 =	sshll.u32 s21, $0x4;
	s24 =	sand.u32 $0xFFFC000, s24  }
0x1e: {  	s25 =	sand.u32 $0x70, s25;
	s24 =	sadd.s32 s3, s24  }
0x1f: {  	s24 =	sadd.s32 s25, s24  }
0x20: {  	[tilespmem:s14], [sflag:$0x4] =	stream.strided.gather [hbm4b:s24+s12], $0x4000, s13, s12, $0x38;
	[tilespmem:$0x1E700] =	vst v63  }
0x21: {  	_ =	swait.ge [sflag:s15], $0x4000  }
.Ltmp1:
0x22: {  	[sflag:s15] =	ssyncset.done $0x0;
	(pc) =	sbr.rel .LBB2_5-.Ltmp1, $4  }
0x23: {  	[sflag:s15] =	ssyncadd.s32 $0xFFFFC000  }
0x24: {  	_ =	swait.ge [sflag:s16], $0x18700  }
0x25: {  	[sflag:s16] =	ssyncset.done $0x0  }
0x26: {  	[sflag:s16] =	ssyncadd.s32 $0xFFFE7900  }
.LBB2_4:
.Ltmp2:
0x27: {  	(pc) =	sbr.rel @p0 .LBB2_6-.Ltmp2, $4  }
0x28: {  	_ = 	snop  }
0x29: {  	_ =	swait.ge [sflag:s16], $0x18700  }
0x2a: {  	[sflag:s16] =	ssyncset.done $0x0  }
0x2b: {  	[sflag:s16] =	ssyncadd.s32 $0xFFFE7900  }
.LBB2_5:
0x2c: {  	_ =	swait.ge [sflag:s17], $0x1000  }
0x2d: {  	[sflag:s17] =	ssyncset.done $0x0  }
0x2e: {  	[sflag:s17] =	ssyncadd.s32 $0xFFFFF000  }
.LBB2_6:
0x2f: {  	s24 =	simm.s32 $0x18740  }
0x30: {  	v0 =	vld [tilespmem:s24+$0x30]  }
0x31: {  	v1 =	vld [tilespmem:s24+$0xFFFFFFD0]  }
0x32: {  	v2 =	vld [tilespmem:s24+$0xFFFFFFE0]  }
0x33: {  	v3 =	vld [tilespmem:s24+$0xFFFFFFF0]  }
0x34: {  	v4 =	vld [tilespmem:s24+$0x0]  }
0x35: {  	v5 =	vld [tilespmem:s24+$0x10];
	v0 =	vadd.s32 $0x1, v0  }
0x36: {  	v1 =	vadd.s32 $0x1, v1  }
0x37: {  	v2 =	vadd.s32 $0x1, v2  }
0x38: {  	v8 =	vld [tilespmem:s24+$0x20];
	v3 =	vadd.s32 $0x1, v3  }
0x39: {  	v9 =	vld [tilespmem:s24+$0xFFFFFFC0];
	v4 =	vadd.s32 $0x1, v4  }
0x3a: {  	v10 =	vadd.s32 $0x1, v5;
	v7 =	vld.idx.msk [tilespmem:v0+s4+$0x0], $0xffff  }
0x3b: {  	v5 =	vld.idx.msk [tilespmem:v1+s4+$0x0], $0xffff  }
0x3c: {  	v6 =	vld.idx.msk [tilespmem:v2+s4+$0x0], $0xffff  }
0x3d: {  	v3 =	vld.idx.msk [tilespmem:v3+s4+$0x0], $0xffff  }
0x3e: {  	v2 =	vld.idx.msk [tilespmem:v4+s4+$0x0], $0xffff  }
0x3f: {  	s25 =	simm.s32 $0x0;
	s26 =	simm.s32 $0x187C0;
	s24 =	simm.s32 $0x1C740;
	v0 =	vadd.s32 $0x1, v8;
	v1 =	vadd.s32 $0x1, v9;
	v4 =	vld.idx.msk [tilespmem:v10+s4+$0x0], $0xffff  }
.LBB2_7:
0x40: {  	v8 =	vld [tilespmem:s26+$0x30];
	s25 =	sadd.s32 $0x80, s25;
	[tilespmem:s24+$0x30] =	vst v7  }
0x41: {  	v7 =	vld [tilespmem:s26+$0xFFFFFFD0];
	p1 =	slt.u32 s25, $0xF80;
	[tilespmem:s24+$0xFFFFFFD0] =	vst v5  }
0x42: {  	v5 =	vld [tilespmem:s26+$0xFFFFFFE0];
	[tilespmem:s24+$0xFFFFFFE0] =	vst v6  }
0x43: {  	v6 =	vld [tilespmem:s26+$0xFFFFFFF0];
	[tilespmem:s24+$0xFFFFFFF0] =	vst v3  }
0x44: {  	v3 =	vld [tilespmem:s26+$0x0];
	[tilespmem:s24+$0x0] =	vst v2  }
0x45: {  	v2 =	vld [tilespmem:s26+$0x10];
	v8 =	vadd.s32 $0x1, v8;
	[tilespmem:s24+$0x10] =	vst v4  }
0x46: {  	v4 =	vadd.s32 $0x1, v7;
	v9 =	vld [tilespmem:s26+$0x20]  }
0x47: {  	v10 =	vld [tilespmem:s26+$0xFFFFFFC0];
	v11 =	vadd.s32 $0x1, v5  }
0x48: {  	v12 =	vadd.s32 $0x1, v6;
	v13 =	vld.idx.msk [tilespmem:v1+s4+$0x0], $0xffff  }
0x49: {  	v14 =	vadd.s32 $0x1, v3;
	v15 =	vld.idx.msk [tilespmem:v0+s4+$0x0], $0xffff  }
0x4a: {  	v16 =	vadd.s32 $0x1, v2;
	v7 =	vld.idx.msk [tilespmem:v8+s4+$0x0], $0xffff  }
.Ltmp3:
0x4b: {  	v5 =	vld.idx.msk [tilespmem:v4+s4+$0x0], $0xffff;
	v0 =	vadd.s32 $0x1, v9;
	(pc) =	sbr.rel @p1 .LBB2_7-.Ltmp3, $4  }
0x4c: {  	v1 =	vadd.s32 $0x1, v10;
	v6 =	vld.idx.msk [tilespmem:v11+s4+$0x0], $0xffff  }
0x4d: {  	v3 =	vld.idx.msk [tilespmem:v12+s4+$0x0], $0xffff  }
0x4e: {  	v2 =	vld.idx.msk [tilespmem:v14+s4+$0x0], $0xffff;
	[tilespmem:s24+$0xFFFFFFC0] =	vst v13  }
0x4f: {  	s26 =	sadd.s32 $0x80, s26;
	v4 =	vld.idx.msk [tilespmem:v16+s4+$0x0], $0xffff;
	[tilespmem:s24+$0x20] =	vst v15;
	s24 =	sadd.s32 $0x100, s24  }
0x50: {  	_ =	sdelay $0x2  }
0x51: {  	[tilespmem:s24+$0x30] =	vst v7  }
0x52: {  	[tilespmem:s24+$0xFFFFFFD0] =	vst v5;
	v1 =	vld.idx.msk [tilespmem:v1+s4+$0x0], $0xffff  }
0x53: {  	v0 =	vld.idx.msk [tilespmem:v0+s4+$0x0], $0xffff;
	s21 =	sshll.u32 s21, $0x13;
	s22 =	sshll.u32 s22, $0x11;
	[tilespmem:s24+$0xFFFFFFE0] =	vst v6  }
0x54: {  	s21 =	sor.u32 s21, s22;
	[tilespmem:s24+$0xFFFFFFF0] =	vst v3  }
0x55: {  	s21 =	sor.u32 s23, s21;
	[tilespmem:s24+$0x0] =	vst v2  }
0x56: {  	s21 =	sshrl.u32 s21, $0x3;
	[tilespmem:s24+$0x10] =	vst v4  }
0x57: {  	s25 =	simm.s32 $0x1C800;
	s22 =	sadd.s32 s5, s21;
	[tilespmem:s24+$0xFFFFFFC0] =	vst v1  }
0x58: {  	s23 =	simm.s32 $0x1C700;
	[tilespmem:s24+$0x20] =	vst v0;
	s24 =	simm.s32 $0x80;
	s26 =	sadd.s32 $0x0, s22  }
.LBB2_9:
0x59: {  	[hbm4b:s26+s4] =	stream.linear.scatter [tilespmem:s23], [sflag:$0x2], $0x80, $0x38;
	[tilespmem:$0x1E700] =	vst v63  }
0x5a: {  	s26 =	smov.u32 s24;
	s23 =	smov.u32 s25;
	p1 =	sne.s32 s24, $0xF80  }
.Ltmp4:
0x5b: {  	s24 =	sadd.s32 $0x80, s24;
	(pc) =	sbr.rel @p1 .LBB2_9-.Ltmp4, $2  }
0x5c: {  	_ =	sdelay $0x2  }
0x5d: {  	s25 =	sadd.s32 $0x100, s25;
	s26 =	sadd.s32 s26, s22  }
0x5e: {  	[hbm4b:s26+s4] =	stream.linear.scatter [tilespmem:s23], [sflag:$0x2], $0x80, $0x38;
	[tilespmem:$0x1E700] =	vst v63  }
0x5f: {  	s22 =	simm.s32 @!p0 $0x3  }
0x60: {  	_ =	swait.ge @!p0 [sflag:s22], $0x1000  }
0x61: {  	[sflag:s22] =	ssyncset.done @!p0 $0x0  }
0x62: {  	s31 =	simm.s32 $0x19770;
	[sflag:s22] =	ssyncadd.s32 @!p0 $0xFFFFF000  }
0x63: {  	v0 =	vld [tilespmem:s31+$0x0]  }
0x64: {  	v1 =	vld [tilespmem:s31+$0xFFFFFFA0]  }
0x65: {  	v2 =	vld [tilespmem:s31+$0xFFFFFFB0]  }
0x66: {  	v3 =	vld [tilespmem:s31+$0xFFFFFFC0]  }
0x67: {  	v4 =	vld [tilespmem:s31+$0xFFFFFFD0]  }
0x68: {  	v5 =	vld [tilespmem:s31+$0xFFFFFFE0];
	v0 =	vadd.s32 $0x1, v0  }
0x69: {  	v1 =	vadd.s32 $0x1, v1  }
0x6a: {  	v2 =	vadd.s32 $0x1, v2  }
0x6b: {  	v6 =	vld [tilespmem:s31+$0xFFFFFFF0];
	v3 =	vadd.s32 $0x1, v3  }
0x6c: {  	v8 =	vld [tilespmem:s31+$0xFFFFFF90];
	v9 =	vadd.s32 $0x1, v4  }
0x6d: {  	v10 =	vadd.s32 $0x1, v5;
	v7 =	vld.idx.msk [tilespmem:v0+s4+$0x0], $0xffff  }
0x6e: {  	v4 =	vld.idx.msk [tilespmem:v1+s4+$0x0], $0xffff  }
0x6f: {  	v5 =	vld.idx.msk [tilespmem:v2+s4+$0x0], $0xffff  }
0x70: {  	v3 =	vld.idx.msk [tilespmem:v3+s4+$0x0], $0xffff  }
0x71: {  	v2 =	vld.idx.msk [tilespmem:v9+s4+$0x0], $0xffff  }
0x72: {  	s23 =	simm.s32 $0x0;
	s24 =	simm.s32 $0x197F0;
	s22 =	simm.s32 $0x1C7F0;
	v0 =	vadd.s32 $0x1, v6;
	v1 =	vadd.s32 $0x1, v8;
	v6 =	vld.idx.msk [tilespmem:v10+s4+$0x0], $0xffff  }
.LBB2_11:
0x73: {  	v8 =	vld [tilespmem:s24+$0x0];
	s23 =	sadd.s32 $0x80, s23;
	[tilespmem:s22+$0x0] =	vst v7  }
0x74: {  	v7 =	vld [tilespmem:s24+$0xFFFFFFA0];
	p0 =	slt.u32 s23, $0xF80;
	[tilespmem:s22+$0xFFFFFFA0] =	vst v4  }
0x75: {  	v4 =	vld [tilespmem:s24+$0xFFFFFFB0];
	[tilespmem:s22+$0xFFFFFFB0] =	vst v5  }
0x76: {  	v5 =	vld [tilespmem:s24+$0xFFFFFFC0];
	[tilespmem:s22+$0xFFFFFFC0] =	vst v3  }
0x77: {  	v3 =	vld [tilespmem:s24+$0xFFFFFFD0];
	[tilespmem:s22+$0xFFFFFFD0] =	vst v2  }
0x78: {  	v2 =	vld [tilespmem:s24+$0xFFFFFFE0];
	v8 =	vadd.s32 $0x1, v8;
	[tilespmem:s22+$0xFFFFFFE0] =	vst v6  }
0x79: {  	v6 =	vadd.s32 $0x1, v7;
	v9 =	vld [tilespmem:s24+$0xFFFFFFF0]  }
0x7a: {  	v10 =	vld [tilespmem:s24+$0xFFFFFF90];
	v11 =	vadd.s32 $0x1, v4  }
0x7b: {  	v12 =	vadd.s32 $0x1, v5;
	v13 =	vld.idx.msk [tilespmem:v1+s4+$0x0], $0xffff  }
0x7c: {  	v14 =	vadd.s32 $0x1, v3;
	v15 =	vld.idx.msk [tilespmem:v0+s4+$0x0], $0xffff  }
0x7d: {  	v16 =	vadd.s32 $0x1, v2;
	v7 =	vld.idx.msk [tilespmem:v8+s4+$0x0], $0xffff  }
.Ltmp5:
0x7e: {  	v4 =	vld.idx.msk [tilespmem:v6+s4+$0x0], $0xffff;
	v0 =	vadd.s32 $0x1, v9;
	(pc) =	sbr.rel @p0 .LBB2_11-.Ltmp5, $4  }
0x7f: {  	v1 =	vadd.s32 $0x1, v10;
	v5 =	vld.idx.msk [tilespmem:v11+s4+$0x0], $0xffff  }
0x80: {  	v3 =	vld.idx.msk [tilespmem:v12+s4+$0x0], $0xffff  }
0x81: {  	v2 =	vld.idx.msk [tilespmem:v14+s4+$0x0], $0xffff;
	[tilespmem:s22+$0xFFFFFF90] =	vst v13  }
0x82: {  	s24 =	sadd.s32 $0x80, s24;
	v6 =	vld.idx.msk [tilespmem:v16+s4+$0x0], $0xffff;
	[tilespmem:s22+$0xFFFFFFF0] =	vst v15;
	s22 =	sadd.s32 $0x100, s22  }
0x83: {  	_ =	sdelay $0x2  }
0x84: {  	[tilespmem:s22+$0x0] =	vst v7  }
0x85: {  	[tilespmem:s22+$0xFFFFFFA0] =	vst v4;
	v1 =	vld.idx.msk [tilespmem:v1+s4+$0x0], $0xffff  }
0x86: {  	v0 =	vld.idx.msk [tilespmem:v0+s4+$0x0], $0xffff;
	[tilespmem:s22+$0xFFFFFFB0] =	vst v5  }
0x87: {  	[tilespmem:s22+$0xFFFFFFC0] =	vst v3  }
0x88: {  	[tilespmem:s22+$0xFFFFFFD0] =	vst v2  }
0x89: {  	[tilespmem:s22+$0xFFFFFFE0] =	vst v6  }
0x8a: {  	s23 =	sadd.s32 s21, s8;
	s24 =	simm.s32 $0x1C780;
	[tilespmem:s22+$0xFFFFFF90] =	vst v1  }
0x8b: {  	s25 =	simm.s32 $0x1C880;
	s26 =	sadd.s32 $0x0, s23;
	[tilespmem:s22+$0xFFFFFFF0] =	vst v0;
	s22 =	simm.s32 $0x80  }
.LBB2_13:
0x8c: {  	[hbm4b:s26+s4] =	stream.linear.scatter [tilespmem:s24], [sflag:$0x3], $0x80, $0x38;
	[tilespmem:$0x1E700] =	vst v63  }
0x8d: {  	s26 =	smov.u32 s22;
	s24 =	smov.u32 s25;
	p0 =	sne.s32 s22, $0xF80  }
.Ltmp6:
0x8e: {  	s22 =	sadd.s32 $0x80, s22;
	(pc) =	sbr.rel @p0 .LBB2_13-.Ltmp6, $2  }
0x8f: {  	_ =	sdelay $0x2  }
0x90: {  	s25 =	sadd.s32 $0x100, s25;
	s26 =	sadd.s32 s26, s23  }
0x91: {  	[hbm4b:s26+s4] =	stream.linear.scatter [tilespmem:s24], [sflag:$0x3], $0x80, $0x38;
	[tilespmem:$0x1E700] =	vst v63  }
0x92: {  	_ =	swait.ge [sflag:s17], $0x1000  }
0x93: {  	[sflag:s17] =	ssyncset.done $0x0  }
0x94: {  	s31 =	simm.s32 $0x1A770;
	[sflag:s17] =	ssyncadd.s32 $0xFFFFF000  }
0x95: {  	v0 =	vld [tilespmem:s31+$0x0]  }
0x96: {  	v1 =	vld [tilespmem:s31+$0xFFFFFFA0]  }
0x97: {  	v2 =	vld [tilespmem:s31+$0xFFFFFFB0]  }
0x98: {  	v3 =	vld [tilespmem:s31+$0xFFFFFFC0]  }
0x99: {  	v4 =	vld [tilespmem:s31+$0xFFFFFFD0]  }
0x9a: {  	v5 =	vld [tilespmem:s31+$0xFFFFFFE0];
	v0 =	vadd.s32 $0x1, v0  }
0x9b: {  	v1 =	vadd.s32 $0x1, v1  }
0x9c: {  	v2 =	vadd.s32 $0x1, v2  }
0x9d: {  	v8 =	vld [tilespmem:s31+$0xFFFFFFF0];
	v3 =	vadd.s32 $0x1, v3  }
0x9e: {  	v9 =	vld [tilespmem:s31+$0xFFFFFF90];
	v4 =	vadd.s32 $0x1, v4  }
0x9f: {  	v10 =	vadd.s32 $0x1, v5;
	v7 =	vld.idx.msk [tilespmem:v0+s4+$0x0], $0xffff  }
0xa0: {  	v5 =	vld.idx.msk [tilespmem:v1+s4+$0x0], $0xffff  }
0xa1: {  	v6 =	vld.idx.msk [tilespmem:v2+s4+$0x0], $0xffff  }
0xa2: {  	v3 =	vld.idx.msk [tilespmem:v3+s4+$0x0], $0xffff  }
0xa3: {  	s22 =	sadd.s32 s21, s9;
	v2 =	vld.idx.msk [tilespmem:v4+s4+$0x0], $0xffff  }
0xa4: {  	s23 =	simm.s32 $0x1C740;
	s24 =	simm.s32 $0x0;
	s25 =	simm.s32 $0x1A7F0;
	v0 =	vadd.s32 $0x1, v8;
	v1 =	vadd.s32 $0x1, v9;
	v4 =	vld.idx.msk [tilespmem:v10+s4+$0x0], $0xffff  }
.LBB2_15:
0xa5: {  	v8 =	vld [tilespmem:s25+$0x0];
	s24 =	sadd.s32 $0x80, s24;
	[tilespmem:s23+$0x30] =	vst v7  }
0xa6: {  	v7 =	vld [tilespmem:s25+$0xFFFFFFA0];
	p0 =	slt.u32 s24, $0xF80;
	[tilespmem:s23+$0xFFFFFFD0] =	vst v5  }
0xa7: {  	v5 =	vld [tilespmem:s25+$0xFFFFFFB0];
	[tilespmem:s23+$0xFFFFFFE0] =	vst v6  }
0xa8: {  	v6 =	vld [tilespmem:s25+$0xFFFFFFC0];
	[tilespmem:s23+$0xFFFFFFF0] =	vst v3  }
0xa9: {  	v3 =	vld [tilespmem:s25+$0xFFFFFFD0];
	[tilespmem:s23+$0x0] =	vst v2  }
0xaa: {  	v2 =	vld [tilespmem:s25+$0xFFFFFFE0];
	v8 =	vadd.s32 $0x1, v8;
	[tilespmem:s23+$0x10] =	vst v4  }
0xab: {  	v4 =	vadd.s32 $0x1, v7;
	v9 =	vld [tilespmem:s25+$0xFFFFFFF0]  }
0xac: {  	v10 =	vld [tilespmem:s25+$0xFFFFFF90];
	v11 =	vadd.s32 $0x1, v5  }
0xad: {  	v12 =	vadd.s32 $0x1, v6;
	v13 =	vld.idx.msk [tilespmem:v1+s4+$0x0], $0xffff  }
0xae: {  	v14 =	vadd.s32 $0x1, v3;
	v15 =	vld.idx.msk [tilespmem:v0+s4+$0x0], $0xffff  }
0xaf: {  	v16 =	vadd.s32 $0x1, v2;
	v7 =	vld.idx.msk [tilespmem:v8+s4+$0x0], $0xffff  }
.Ltmp7:
0xb0: {  	v5 =	vld.idx.msk [tilespmem:v4+s4+$0x0], $0xffff;
	v0 =	vadd.s32 $0x1, v9;
	(pc) =	sbr.rel @p0 .LBB2_15-.Ltmp7, $4  }
0xb1: {  	v1 =	vadd.s32 $0x1, v10;
	v6 =	vld.idx.msk [tilespmem:v11+s4+$0x0], $0xffff  }
0xb2: {  	v3 =	vld.idx.msk [tilespmem:v12+s4+$0x0], $0xffff  }
0xb3: {  	v2 =	vld.idx.msk [tilespmem:v14+s4+$0x0], $0xffff;
	[tilespmem:s23+$0xFFFFFFC0] =	vst v13  }
0xb4: {  	s25 =	sadd.s32 $0x80, s25;
	v4 =	vld.idx.msk [tilespmem:v16+s4+$0x0], $0xffff;
	[tilespmem:s23+$0x20] =	vst v15;
	s23 =	sadd.s32 $0x100, s23  }
0xb5: {  	_ =	sdelay $0x2  }
0xb6: {  	[tilespmem:s23+$0x30] =	vst v7  }
0xb7: {  	[tilespmem:s23+$0xFFFFFFD0] =	vst v5;
	v1 =	vld.idx.msk [tilespmem:v1+s4+$0x0], $0xffff  }
0xb8: {  	v0 =	vld.idx.msk [tilespmem:v0+s4+$0x0], $0xffff;
	[tilespmem:s23+$0xFFFFFFE0] =	vst v6  }
0xb9: {  	[tilespmem:s23+$0xFFFFFFF0] =	vst v3  }
0xba: {  	[tilespmem:s23+$0x0] =	vst v2  }
0xbb: {  	[tilespmem:s23+$0x10] =	vst v4  }
0xbc: {  	s24 =	simm.s32 $0x80;
	[tilespmem:s23+$0xFFFFFFC0] =	vst v1  }
0xbd: {  	s26 =	sadd.s32 $0x0, s22;
	s25 =	simm.s32 $0x1C800;
	[tilespmem:s23+$0x20] =	vst v0;
	s23 =	simm.s32 $0x1C700  }
.LBB2_17:
0xbe: {  	[hbm4b:s26+s4] =	stream.linear.scatter [tilespmem:s23], [sflag:$0x2], $0x80, $0x38;
	[tilespmem:$0x1E700] =	vst v63  }
0xbf: {  	s26 =	smov.u32 s24;
	s23 =	smov.u32 s25;
	p0 =	sne.s32 s24, $0xF80  }
.Ltmp8:
0xc0: {  	s24 =	sadd.s32 $0x80, s24;
	(pc) =	sbr.rel @p0 .LBB2_17-.Ltmp8, $2  }
0xc1: {  	_ =	sdelay $0x2  }
0xc2: {  	s25 =	sadd.s32 $0x100, s25;
	s26 =	sadd.s32 s26, s22  }
0xc3: {  	[hbm4b:s26+s4] =	stream.linear.scatter [tilespmem:s23], [sflag:$0x2], $0x80, $0x38;
	[tilespmem:$0x1E700] =	vst v63  }
0xc4: {  	_ =	swait.ge [sflag:s18], $0x1000  }
0xc5: {  	[sflag:s18] =	ssyncset.done $0x0  }
0xc6: {  	s31 =	simm.s32 $0x1B770;
	[sflag:s18] =	ssyncadd.s32 $0xFFFFF000  }
0xc7: {  	v0 =	vld [tilespmem:s31+$0x0]  }
0xc8: {  	v1 =	vld [tilespmem:s31+$0xFFFFFFA0]  }
0xc9: {  	v2 =	vld [tilespmem:s31+$0xFFFFFFB0]  }
0xca: {  	v3 =	vld [tilespmem:s31+$0xFFFFFFC0]  }
0xcb: {  	v4 =	vld [tilespmem:s31+$0xFFFFFFD0]  }
0xcc: {  	v5 =	vld [tilespmem:s31+$0xFFFFFFE0];
	v0 =	vadd.s32 $0x1, v0  }
0xcd: {  	v1 =	vadd.s32 $0x1, v1  }
0xce: {  	v2 =	vadd.s32 $0x1, v2  }
0xcf: {  	v8 =	vld [tilespmem:s31+$0xFFFFFFF0];
	v3 =	vadd.s32 $0x1, v3  }
0xd0: {  	v9 =	vld [tilespmem:s31+$0xFFFFFF90];
	v4 =	vadd.s32 $0x1, v4  }
0xd1: {  	v10 =	vadd.s32 $0x1, v5;
	v7 =	vld.idx.msk [tilespmem:v0+s4+$0x0], $0xffff  }
0xd2: {  	v5 =	vld.idx.msk [tilespmem:v1+s4+$0x0], $0xffff  }
0xd3: {  	v6 =	vld.idx.msk [tilespmem:v2+s4+$0x0], $0xffff  }
0xd4: {  	v3 =	vld.idx.msk [tilespmem:v3+s4+$0x0], $0xffff  }
0xd5: {  	s21 =	sadd.s32 s21, s10;
	v2 =	vld.idx.msk [tilespmem:v4+s4+$0x0], $0xffff  }
0xd6: {  	s22 =	simm.s32 $0x1C7F0;
	s23 =	simm.s32 $0x0;
	s24 =	simm.s32 $0x1B7F0;
	v0 =	vadd.s32 $0x1, v8;
	v1 =	vadd.s32 $0x1, v9;
	v4 =	vld.idx.msk [tilespmem:v10+s4+$0x0], $0xffff  }
.LBB2_19:
0xd7: {  	v8 =	vld [tilespmem:s24+$0x0];
	s23 =	sadd.s32 $0x80, s23;
	[tilespmem:s22+$0x0] =	vst v7  }
0xd8: {  	v7 =	vld [tilespmem:s24+$0xFFFFFFA0];
	p0 =	slt.u32 s23, $0xF80;
	[tilespmem:s22+$0xFFFFFFA0] =	vst v5  }
0xd9: {  	v5 =	vld [tilespmem:s24+$0xFFFFFFB0];
	[tilespmem:s22+$0xFFFFFFB0] =	vst v6  }
0xda: {  	v6 =	vld [tilespmem:s24+$0xFFFFFFC0];
	[tilespmem:s22+$0xFFFFFFC0] =	vst v3  }
0xdb: {  	v3 =	vld [tilespmem:s24+$0xFFFFFFD0];
	[tilespmem:s22+$0xFFFFFFD0] =	vst v2  }
0xdc: {  	v2 =	vld [tilespmem:s24+$0xFFFFFFE0];
	v8 =	vadd.s32 $0x1, v8;
	[tilespmem:s22+$0xFFFFFFE0] =	vst v4  }
0xdd: {  	v4 =	vadd.s32 $0x1, v7;
	v9 =	vld [tilespmem:s24+$0xFFFFFFF0]  }
0xde: {  	v10 =	vld [tilespmem:s24+$0xFFFFFF90];
	v11 =	vadd.s32 $0x1, v5  }
0xdf: {  	v12 =	vadd.s32 $0x1, v6;
	v13 =	vld.idx.msk [tilespmem:v1+s4+$0x0], $0xffff  }
0xe0: {  	v14 =	vadd.s32 $0x1, v3;
	v15 =	vld.idx.msk [tilespmem:v0+s4+$0x0], $0xffff  }
0xe1: {  	v16 =	vadd.s32 $0x1, v2;
	v7 =	vld.idx.msk [tilespmem:v8+s4+$0x0], $0xffff  }
.Ltmp9:
0xe2: {  	v5 =	vld.idx.msk [tilespmem:v4+s4+$0x0], $0xffff;
	v0 =	vadd.s32 $0x1, v9;
	(pc) =	sbr.rel @p0 .LBB2_19-.Ltmp9, $4  }
0xe3: {  	v1 =	vadd.s32 $0x1, v10;
	v6 =	vld.idx.msk [tilespmem:v11+s4+$0x0], $0xffff  }
0xe4: {  	v3 =	vld.idx.msk [tilespmem:v12+s4+$0x0], $0xffff  }
0xe5: {  	v2 =	vld.idx.msk [tilespmem:v14+s4+$0x0], $0xffff;
	[tilespmem:s22+$0xFFFFFF90] =	vst v13  }
0xe6: {  	s24 =	sadd.s32 $0x80, s24;
	v4 =	vld.idx.msk [tilespmem:v16+s4+$0x0], $0xffff;
	[tilespmem:s22+$0xFFFFFFF0] =	vst v15;
	s22 =	sadd.s32 $0x100, s22  }
0xe7: {  	_ =	sdelay $0x2  }
0xe8: {  	[tilespmem:s22+$0x0] =	vst v7  }
0xe9: {  	[tilespmem:s22+$0xFFFFFFA0] =	vst v5;
	v1 =	vld.idx.msk [tilespmem:v1+s4+$0x0], $0xffff  }
0xea: {  	v0 =	vld.idx.msk [tilespmem:v0+s4+$0x0], $0xffff;
	[tilespmem:s22+$0xFFFFFFB0] =	vst v6  }
0xeb: {  	[tilespmem:s22+$0xFFFFFFC0] =	vst v3  }
0xec: {  	[tilespmem:s22+$0xFFFFFFD0] =	vst v2  }
0xed: {  	[tilespmem:s22+$0xFFFFFFE0] =	vst v4  }
0xee: {  	s23 =	simm.s32 $0x80;
	[tilespmem:s22+$0xFFFFFF90] =	vst v1  }
0xef: {  	s25 =	sadd.s32 $0x0, s21;
	s24 =	simm.s32 $0x1C880;
	[tilespmem:s22+$0xFFFFFFF0] =	vst v0;
	s22 =	simm.s32 $0x1C780  }
.LBB2_21:
0xf0: {  	[hbm4b:s25+s4] =	stream.linear.scatter [tilespmem:s22], [sflag:$0x3], $0x80, $0x38;
	[tilespmem:$0x1E700] =	vst v63  }
0xf1: {  	s25 =	smov.u32 s23;
	s22 =	smov.u32 s24;
	p0 =	sne.s32 s23, $0xF80  }
.Ltmp10:
0xf2: {  	s23 =	sadd.s32 $0x80, s23;
	(pc) =	sbr.rel @p0 .LBB2_21-.Ltmp10, $2  }
0xf3: {  	_ =	sdelay $0x2  }
0xf4: {  	s24 =	sadd.s32 $0x100, s24;
	s25 =	sadd.s32 s25, s21  }
0xf5: {  	s20 =	sadd.s32 $0x1, s20  }
0xf6: {  	p0 =	sne.s32 s20, $0x1A  }
.Ltmp11:
0xf7: {  	_ = 	snop;
	(pc) =	sbr.rel @p0 .LBB2_2-.Ltmp11, $2  }
0xf8: {  	_ =	sdelay $0x2  }
0xf9: {  	[hbm4b:s25+s4] =	stream.linear.scatter [tilespmem:s22], [sflag:$0x3], $0x80, $0x38;
	[tilespmem:$0x1E700] =	vst v63  }
0xfa: {  	s19 =	sadd.s32 $0x1, s19  }
0xfb: {  	_ =	swait.ge [sflag:s17], $0x1000;
	p0 =	sne.s32 s19, s11  }
.Ltmp12:
0xfc: {  	[sflag:s17] =	ssyncset.done $0x0;
	(pc) =	sbr.rel @p0 .LBB2_1-.Ltmp12, $4  }
0xfd: {  	[sflag:s17] =	ssyncadd.s32 $0xFFFFF000  }
0xfe: {  	_ =	swait.ge [sflag:s18], $0x1000  }
0xff: {  	[sflag:s18] =	ssyncset.done $0x0  }
0x100: {  	[sflag:s18] =	ssyncadd.s32 $0xFFFFF000  }
0x101: {  	_ =	sfence.sel $0x180000  }
0x102: {  	[bflag:$0x0] =	sbarrier.arrive $0xFFFF  }
0x103: {  	p0 =	sne.s32 s0, $0x0;
	_ =	strace $0x90000047  }
0x104: {  	s0 =	sadd.s32 @!p0 $0x100000, s1;
	[bflag:$0x2] =	sbarrier.arrive $0xFFFF  }
0x105: {  	[sflag:s0] =	ssyncadd.tile.s32 @!p0 $0x1;
	_ =	shalt  }
.Lfunc_end2:
_tile_overlayer_lowered:
.L_overlay_start_2:
0x106: {  	(tag) =	ssettag $0x2  }
0x107: {  	s0 =	rddreg [dreg:$0x0];
	s2 =	stileid.u32  }
0x108: {  	s1 =	rddreg [dreg:$0x1];
	p0 =	sne.s32 s2, $0x0  }
0x109: {  	s3 =	rddreg [dreg:$0x2];
	[bflag:$0x3] =	sbarrier.arrive $0xFFFF;
	s2 =	simm.s32 @!p0 $0x1C04  }
0x10a: {  	[timem:s3], [sflag:s2] =	dma.local @!p0 [hbm:s0], s1  }
0x10b: {  	s0 =	simm.s32 @!p0 $0x4  }
0x10c: {  	_ =	swait.ge @!p0 [sflag:s0], s1  }
0x10d: {  	s1 =	ssub.s32 @!p0 $0x0, s1;
	[sflag:s0] =	ssyncset.done @!p0 $0x0  }
0x10e: {  	[sflag:s0] =	ssyncadd.s32 @!p0 s1  }
0x10f: {  	[bflag:$0x3] =	sbarrier.arrive $0xFFFF  }
0x110: {  	_ =	shalt  }

</sc_bundles>
